<compile_context>
chip_gen: v7x
topology: tpu7x:2x2x1
jax: 0.10.2.dev20260603
libtpu: 0.0.44.dev20260713+nightly
codegen_flags: <defaults>
</compile_context>

<pallas_src>
import jax
import jax.numpy as jnp
from jax import lax
from jax.experimental import pallas as pl
from jax.experimental.pallas import tpu as pltpu
from jax.experimental.pallas import tpu_sc as plsc

P, B, A, T, S, H = 32, 256, 32, 32, 32, 16384
N = B * A
L = 16
PI = 3.14159265358979

_ACOS_C = (1.5707963050, -0.2145988016, 0.0889789874, -0.0501743046,
           0.0308918810, -0.0170881256, 0.0066700901, -0.0012624911)


def _iota():
    return lax.iota(jnp.int32, L)


def _splat_i(x):
    return jnp.broadcast_to(jnp.asarray(x, jnp.int32), (L,))


def _vrsqrt(x):
    i = lax.bitcast_convert_type(x, jnp.int32)
    y = lax.bitcast_convert_type(jnp.int32(0x5F3759DF) - (i >> 1), jnp.float32)
    half = jnp.float32(0.5) * x
    for _ in range(2):
        y = y * (jnp.float32(1.5) - half * y * y)
    return y


def _vsqrt(x):
    return x * _vrsqrt(x)


def _vacos(c):
    t = jnp.abs(c)
    p = jnp.full((L,), _ACOS_C[7], jnp.float32)
    for a in _ACOS_C[6::-1]:
        p = p * t + jnp.float32(a)
    pos = _vsqrt(jnp.float32(1.0) - t) * p
    return jnp.where(c >= 0, pos, jnp.float32(PI) - pos)


def _cossin_2piv(v):
    a = v * jnp.float32(4.0)
    q = a.astype(jnp.int32)
    z = (a - q.astype(jnp.float32)) * jnp.float32(PI / 2)
    z2 = z * z
    c0 = jnp.float32(1.0) + z2 * (jnp.float32(-0.5) + z2 * (
        jnp.float32(1.0 / 24) + z2 * (jnp.float32(-1.0 / 720)
                                      + z2 * jnp.float32(1.0 / 40320))))
    s0 = z * (jnp.float32(1.0) + z2 * (jnp.float32(-1.0 / 6) + z2 * (
        jnp.float32(1.0 / 120) + z2 * (jnp.float32(-1.0 / 5040)
                                       + z2 * jnp.float32(1.0 / 362880)))))
    q1, q2, q3 = q == 1, q == 2, q == 3
    cos = jnp.where(q1, -s0, jnp.where(q2, -c0, jnp.where(q3, s0, c0)))
    sin = jnp.where(q1, c0, jnp.where(q2, -s0, jnp.where(q3, -c0, s0)))
    return cos, sin


def _gather(ref, idx):
    return plsc.load_gather(ref, [idx])


def _body(cx_h, cy_h, cz_h, bt_h, conns_h, tab_h,
          hv0_h, hv1_h, hv2_h, hv3_h, hv4_h, hv5_h, out_h,
          cx_v, cy_v, cz_v, bt_v, conns_v, tab_v, ku_v, hu_v, hw_v,
          pu0_v, pu1_v, pu2_v, pu3_v, pu4_v, pu5_v,
          pw0_v, pw1_v, pw2_v, pw3_v, pw4_v, pw5_v,
          prml_v, shared_v, prmT_v, res_v, sem):
    sid = lax.axis_index("s")
    wid = sid * 2 + lax.axis_index("c")

    pltpu.sync_copy(cx_h.at[wid], cx_v)
    pltpu.sync_copy(cy_h.at[wid], cy_v)
    pltpu.sync_copy(cz_h.at[wid], cz_v)
    pltpu.sync_copy(bt_h.at[wid], bt_v)
    pltpu.sync_copy(conns_h.at[wid], conns_v)
    pltpu.sync_copy(tab_h, tab_v)

    lanes = _iota()
    eps = jnp.float32(1e-6)

    ebase = sid * 64

    def keys_body(i, carry):
        loc = i * L + lanes
        ts = ebase + loc
        t32 = (ts >> 5) * 32
        ku = _splat_i(0)
        kw = _splat_i(0)
        for k, mult in enumerate((131, 31, 7, 1)):
            sub_k = _gather(tab_v, k * 1024 + ts)
            ku = ku + _gather(tab_v, 4096 + t32 + sub_k) * mult
            kw = kw + _gather(tab_v, 5120 + t32 + sub_k) * mult
        plsc.store_scatter(ku_v, [loc], ku)
        hu = ku & (H - 1)
        hw = kw & (H - 1)
        plsc.store_scatter(hu_v, [loc], hu)
        plsc.store_scatter(hw_v, [loc], hw)
        return carry

    lax.fori_loop(0, 64 // L, keys_body, 0)

    hv_hs = (hv0_h, hv1_h, hv2_h, hv3_h, hv4_h, hv5_h)
    pu_vs = (pu0_v, pu1_v, pu2_v, pu3_v, pu4_v, pu5_v)
    pw_vs = (pw0_v, pw1_v, pw2_v, pw3_v, pw4_v, pw5_v)
    copies = []
    for c in range(6):
        copies.append(pltpu.async_copy(hv_hs[c].at[hu_v], pu_vs[c], sem))
        copies.append(pltpu.async_copy(hv_hs[c].at[hw_v], pw_vs[c], sem))
    for cp in copies:
        cp.wait()

    def prm_body(i, carry):
        loc = i * L + lanes
        ts = ebase + loc
        t = ts >> 5
        s = ts & 31
        ku = _gather(ku_v, loc)
        hu = _gather(hu_v, loc)
        match = _gather(tab_v, 6240 + hu) == ku
        prm = []
        for c in range(6):
            pu_c = _gather(pu_vs[c], loc)
            pw_c = _gather(pw_vs[c], loc)
            prm.append(jnp.where(match, pu_c, pw_c))
        cp0, sp0 = _cossin_2piv(prm[5])
        cntv = _gather(tab_v, 6208 + t)
        maskf = jnp.where(s < cntv, jnp.float32(1.0), jnp.float32(0.0))
        rows = (prm[0], prm[1] * jnp.float32(2.0), prm[2],
                prm[3] * jnp.float32(PI), prm[4], cp0, sp0, maskf)
        for c, val in enumerate(rows):
            plsc.store_scatter(prml_v, [loc * 8 + c], val)
        return carry

    lax.fori_loop(0, 64 // L, prm_body, 0)

    pltpu.sync_copy(prml_v, shared_v.at[pl.ds(sid * 512, 512)])
    plsc.subcore_barrier()
    pltpu.sync_copy(shared_v, prmT_v)

    def intra_body(q, acc):
        b = q >> 1
        s0 = (q & 1) * L
        bvec = jnp.broadcast_to(b, (L,))
        tvec = _gather(bt_v, bvec)
        ovec = bvec * 32
        ts = tvec * 32 + s0 + lanes
        xs = []
        for k in range(4):
            sub_k = _gather(tab_v, k * 1024 + ts)
            gk = ovec + sub_k
            xs.append((_gather(cx_v, gk), _gather(cy_v, gk),
                       _gather(cz_v, gk)))
        x0, x1, x2, x3 = xs
        prm = tuple(_gather(prmT_v, ts * 8 + c) for c in range(8))
        k_len, l0, k_ang, t0, k_tor, cp0, sp0, maskf = prm

        dx = tuple(x1[c] - x0[c] for c in range(3))
        d01 = _vsqrt(dx[0] * dx[0] + dx[1] * dx[1] + dx[2] * dx[2] + eps)
        uv = tuple(x0[c] - x1[c] for c in range(3))
        vv = tuple(x2[c] - x1[c] for c in range(3))
        s_uv = uv[0] * uv[0] + uv[1] * uv[1] + uv[2] * uv[2] + eps
        s_vv = vv[0] * vv[0] + vv[1] * vv[1] + vv[2] * vv[2] + eps
        dotuv = uv[0] * vv[0] + uv[1] * vv[1] + uv[2] * vv[2]
        cosang = jnp.clip(dotuv * _vrsqrt(s_uv * s_vv),
                          jnp.float32(-1.0 + 1e-6), jnp.float32(1.0 - 1e-6))
        theta = _vacos(cosang)
        b1 = dx
        b2 = vv
        b3 = tuple(x3[c] - x2[c] for c in range(3))

        def cross(u, v):
            return (u[1] * v[2] - u[2] * v[1],
                    u[2] * v[0] - u[0] * v[2],
                    u[0] * v[1] - u[1] * v[0])

        n1 = cross(b1, b2)
        n2 = cross(b2, b3)
        s_b2 = b2[0] * b2[0] + b2[1] * b2[1] + b2[2] * b2[2]
        inv_b2 = jnp.float32(1.0) / (_vsqrt(s_b2) + eps)
        m1 = cross(n1, tuple(b2[c] * inv_b2 for c in range(3)))
        y = m1[0] * n2[0] + m1[1] * n2[1] + m1[2] * n2[2]
        x = n1[0] * n2[0] + n1[1] * n2[1] + n1[2] * n2[2] + eps
        den = x * x + y * y + jnp.float32(1e-30)
        cos2phi = (x * x - y * y) / den
        sin2phi = jnp.float32(2.0) * x * y / den

        dl = d01 - l0
        da = theta - t0
        E = (k_len * dl * dl + k_ang * da * da
             + k_tor * (jnp.float32(1.0) + cos2phi * cp0 + sin2phi * sp0))
        return acc + E * maskf

    acc = lax.fori_loop(0, (B * S) // L, intra_body,
                        jnp.zeros((L,), jnp.float32))

    def inter_body(it, acc):
        e = it * L + lanes
        b = e >> 1
        j = e & 1
        t1 = _gather(bt_v, b)
        ci = b * 4 + j * 2
        b2i = _gather(conns_v, ci)
        c2 = _gather(conns_v, ci + 1) & 1
        t2 = _gather(bt_v, b2i)
        a1 = _gather(tab_v, 6144 + t1 * 2 + j)
        a2 = _gather(tab_v, 6144 + t2 * 2 + c2)
        g1 = b * 32 + a1
        g2 = b2i * 32 + a2
        d2 = eps
        for cv in (cx_v, cy_v, cz_v):
            dc = _gather(cv, g2) - _gather(cv, g1)
            d2 = d2 + dc * dc
        dd = _vsqrt(d2) - jnp.float32(1.5)
        return acc + jnp.float32(0.5) * dd * dd

    acc = lax.fori_loop(0, (B * 2) // L, inter_body, acc)

    total = jnp.sum(acc)
    res_v[...] = jnp.where(lanes == 0, jnp.broadcast_to(total, (L,)),
                           jnp.float32(0.0))
    pltpu.sync_copy(res_v, out_h.at[wid])


@jax.jit
def _run(cx, cy, cz, bt, conns1, tab, hv0, hv1, hv2, hv3, hv4, hv5):
    mesh = plsc.VectorSubcoreMesh(core_axis_name="c", subcore_axis_name="s")
    f = pl.kernel(
        _body,
        out_type=jax.ShapeDtypeStruct((P, L), jnp.float32),
        mesh=mesh,
        compiler_params=pltpu.CompilerParams(needs_layout_passes=False),
        scratch_types=[
            pltpu.VMEM((N,), jnp.float32),
            pltpu.VMEM((N,), jnp.float32),
            pltpu.VMEM((N,), jnp.float32),
            pltpu.VMEM((B,), jnp.int32),
            pltpu.VMEM((B * 4,), jnp.int32),
            pltpu.VMEM((22624,), jnp.int32),
            pltpu.VMEM((64,), jnp.int32),
            pltpu.VMEM((64,), jnp.int32),
            pltpu.VMEM((64,), jnp.int32),
            pltpu.VMEM((64,), jnp.float32),
            pltpu.VMEM((64,), jnp.float32),
            pltpu.VMEM((64,), jnp.float32),
            pltpu.VMEM((64,), jnp.float32),
            pltpu.VMEM((64,), jnp.float32),
            pltpu.VMEM((64,), jnp.float32),
            pltpu.VMEM((64,), jnp.float32),
            pltpu.VMEM((64,), jnp.float32),
            pltpu.VMEM((64,), jnp.float32),
            pltpu.VMEM((64,), jnp.float32),
            pltpu.VMEM((64,), jnp.float32),
            pltpu.VMEM((64,), jnp.float32),
            pltpu.VMEM((512,), jnp.float32),
            pltpu.VMEM_SHARED((T * S * 8,), jnp.float32),
            pltpu.VMEM((T * S * 8,), jnp.float32),
            pltpu.VMEM((L,), jnp.float32),
            pltpu.SemaphoreType.DMA,
        ],
    )
    return f(cx, cy, cz, bt, conns1, tab, hv0, hv1, hv2, hv3, hv4, hv5)


def kernel(coords, pose_stack_block_coord_offset, pose_stack_block_types,
           pose_stack_inter_block_connections, atom_paths_from_conn,
           atom_unique_ids, atom_wildcard_ids, hash_keys, hash_values,
           cart_subgraphs, cart_subgraph_offsets, max_subgraphs_per_block):
    cx = coords[:, :, 0]
    cy = coords[:, :, 1]
    cz = coords[:, :, 2]
    conns1 = pose_stack_inter_block_connections.reshape(P, B * 4)
    tab = jnp.concatenate([
        cart_subgraphs.transpose(2, 0, 1).reshape(4 * T * S),
        atom_unique_ids.reshape(T * A),
        atom_wildcard_ids.reshape(T * A),
        atom_paths_from_conn[:, :, 0].reshape(T * 2),
        cart_subgraph_offsets,
        hash_keys,
    ])
    hv = [hash_values[:, c] for c in range(6)]
    out = _run(cx, cy, cz, pose_stack_block_types, conns1, tab, *hv)
    return out[:, 0]

# --- scband reference (transcript-rebuilt; emitter-appended) ---
"""Pipeline reference for scband-cart-bonded-whole-pose-scoring-module-23081154249117 (READ-ONLY COPY).

The authoritative reference and input builder live on the scoring server;
editing this copy changes nothing except your own understanding.
"""

import jax, jax.numpy as jnp
import numpy as np

P, B, A, T, S, H = 32, 256, 32, 32, 32, 16384
N = B * A

def setup_inputs(seed: int = 0):
    key = jax.random.key(seed)
    ks = jax.random.split(key, 12)
    coords = jax.random.normal(ks[0], (P, N, 3), dtype=jnp.float32) * 5.0
    offs = jnp.tile((jnp.arange(B, dtype=jnp.int32) * A)[None, :], (P, 1))
    bt = jax.random.randint(ks[1], (P, B), 0, T, dtype=jnp.int32)
    conn_blk = jax.random.randint(ks[2], (P, B, 2), 0, B, dtype=jnp.int32)
    conn_idx = jax.random.randint(ks[3], (P, B, 2), 0, 2, dtype=jnp.int32)
    conns = jnp.stack([conn_blk, conn_idx], axis=-1)
    paths = jax.random.randint(ks[4], (T, 2, 3), 0, A, dtype=jnp.int32)
    uid = jax.random.randint(ks[5], (T, A), 0, 4096, dtype=jnp.int32)
    wid = jax.random.randint(ks[6], (T, A), 0, 64, dtype=jnp.int32)
    hkeys = jax.random.randint(ks[7], (H,), 0, 1000000, dtype=jnp.int32)
    hvals = jax.random.uniform(ks[8], (H, 6), dtype=jnp.float32)
    subs = jax.random.randint(ks[9], (T, S, 4), 0, A, dtype=jnp.int32)
    sub_counts = jax.random.randint(ks[10], (T,), 0, S, dtype=jnp.int32)
    return {'coords': coords, 'pose_stack_block_coord_offset': offs, 'pose_stack_block_types': bt, 'pose_stack_inter_block_connections': conns, 'atom_paths_from_conn': paths, 'atom_unique_ids': uid, 'atom_wildcard_ids': wid, 'hash_keys': hkeys, 'hash_values': hvals, 'cart_subgraphs': subs, 'cart_subgraph_offsets': sub_counts, 'max_subgraphs_per_block': S}

def _score(coords, hash_values, offs, bt, conns, paths, uid, wid, hkeys, subs_tbl, sub_counts):
    P_, N_, _ = coords.shape
    B_ = bt.shape[1]
    S_ = subs_tbl.shape[1]
    H_ = hkeys.shape[0]
    eps = 1e-6
    subs = subs_tbl[bt]
    counts = sub_counts[bt]
    mask = (jnp.arange(S_)[None, None, :] < counts[:, :, None]).astype(coords.dtype)
    g = offs[:, :, None, None] + subs
    xyz = jnp.take_along_axis(coords, g.reshape(P_, -1)[:, :, None], axis=1).reshape(P_, B_, S_, 4, 3)
    u_blk = uid[bt]
    w_blk = wid[bt]
    su = jnp.take_along_axis(u_blk, subs.reshape(P_, B_, S_ * 4), axis=2).reshape(P_, B_, S_, 4)
    sw = jnp.take_along_axis(w_blk, subs.reshape(P_, B_, S_ * 4), axis=2).reshape(P_, B_, S_, 4)
    def mkkey(u):
        return u[..., 0] * 131 + u[..., 1] * 31 + u[..., 2] * 7 + u[..., 3]
    ku = mkkey(su)
    kw = mkkey(sw)
    hu = jnp.mod(ku, H_)
    hw = jnp.mod(kw, H_)
    pu = hash_values[hu]
    pw = hash_values[hw]
    match = (hkeys[hu] == ku)[..., None]
    prm = jnp.where(match, pu, pw)
    x0 = xyz[..., 0, :]; x1 = xyz[..., 1, :]; x2 = xyz[..., 2, :]; x3 = xyz[..., 3, :]
    d01 = jnp.sqrt(jnp.sum((x1 - x0) ** 2, -1) + eps)
    uv = x0 - x1; vv = x2 - x1
    nu = jnp.sqrt(jnp.sum(uv ** 2, -1) + eps)
    nv = jnp.sqrt(jnp.sum(vv ** 2, -1) + eps)
    cosang = jnp.clip(jnp.sum(uv * vv, -1) / (nu * nv), -1.0 + 1e-6, 1.0 - 1e-6)
    theta = jnp.arccos(cosang)
    b1 = x1 - x0; b2 = x2 - x1; b3 = x3 - x2
    n1 = jnp.cross(b1, b2); n2 = jnp.cross(b2, b3)
    b2n = b2 / (jnp.sqrt(jnp.sum(b2 ** 2, -1, keepdims=True)) + eps)
    m1 = jnp.cross(n1, b2n)
    phi = jnp.arctan2(jnp.sum(m1 * n2, -1), jnp.sum(n1 * n2, -1) + eps)
    k_len = prm[..., 0]; l0 = prm[..., 1] * 2.0
    k_ang = prm[..., 2]; t0 = prm[..., 3] * jnp.pi
    k_tor = prm[..., 4]; p0 = prm[..., 5] * 2.0 * jnp.pi
    E = k_len * (d01 - l0) ** 2 + k_ang * (theta - t0) ** 2 + k_tor * (1.0 + jnp.cos(2.0 * phi - p0))
    intra = jnp.sum(E * mask, axis=(1, 2))
    b2i = conns[..., 0]
    c2 = jnp.mod(conns[..., 1], 2)
    c_self = jnp.broadcast_to(jnp.arange(2, dtype=jnp.int32)[None, None, :], b2i.shape)
    a1 = paths[bt[:, :, None], c_self, 0]
    bt2 = jnp.take_along_axis(bt, b2i.reshape(P_, -1), axis=1).reshape(P_, B_, 2)
    a2 = paths[bt2, c2, 0]
    off2 = jnp.take_along_axis(offs, b2i.reshape(P_, -1), axis=1).reshape(P_, B_, 2)
    g1 = offs[:, :, None] + a1
    g2 = off2 + a2
    xa = jnp.take_along_axis(coords, g1.reshape(P_, -1)[:, :, None], axis=1).reshape(P_, B_, 2, 3)
    xb = jnp.take_along_axis(coords, g2.reshape(P_, -1)[:, :, None], axis=1).reshape(P_, B_, 2, 3)
    d = jnp.sqrt(jnp.sum((xb - xa) ** 2, -1) + eps)
    inter = jnp.sum(0.5 * (d - 1.5) ** 2, axis=(1, 2))
    return intra + inter

def reference(coords, pose_stack_block_coord_offset, pose_stack_block_types, pose_stack_inter_block_connections, atom_paths_from_conn, atom_unique_ids, atom_wildcard_ids, hash_keys, hash_values, cart_subgraphs, cart_subgraph_offsets, max_subgraphs_per_block):
    return _score(coords, hash_values, pose_stack_block_coord_offset, pose_stack_block_types, pose_stack_inter_block_connections, atom_paths_from_conn, atom_unique_ids, atom_wildcard_ids, hash_keys, cart_subgraphs, cart_subgraph_offsets)

if __name__ == "__main__":
    import jax
    _d = setup_inputs()
    print(jax.jit(kernel)(*tuple(_d.values())))

</pallas_src>

<mosaic_0001>
#map = affine_map<(d0, d1) -> (0, 0)>
#map1 = affine_map<(d0, d1) -> (0)>
module attributes {stable_mosaic.version = 14 : i64} {
  func.func @_body(%arg0: i32, %arg1: i32, %arg2: memref<32x8192xf32, #tpu.memory_space<hbm>>, %arg3: memref<32x8192xf32, #tpu.memory_space<hbm>>, %arg4: memref<32x8192xf32, #tpu.memory_space<hbm>>, %arg5: memref<32x256xi32, #tpu.memory_space<hbm>>, %arg6: memref<32x1024xi32, #tpu.memory_space<hbm>>, %arg7: memref<22624xi32, #tpu.memory_space<hbm>>, %arg8: memref<16384xf32, #tpu.memory_space<hbm>>, %arg9: memref<16384xf32, #tpu.memory_space<hbm>>, %arg10: memref<16384xf32, #tpu.memory_space<hbm>>, %arg11: memref<16384xf32, #tpu.memory_space<hbm>>, %arg12: memref<16384xf32, #tpu.memory_space<hbm>>, %arg13: memref<16384xf32, #tpu.memory_space<hbm>>, %arg14: memref<32x16xf32, #tpu.memory_space<hbm>>, %arg15: memref<8192xf32, #tpu.memory_space<vmem>>, %arg16: memref<8192xf32, #tpu.memory_space<vmem>>, %arg17: memref<8192xf32, #tpu.memory_space<vmem>>, %arg18: memref<256xi32, #tpu.memory_space<vmem>>, %arg19: memref<1024xi32, #tpu.memory_space<vmem>>, %arg20: memref<22624xi32, #tpu.memory_space<vmem>>, %arg21: memref<64xi32, #tpu.memory_space<vmem>>, %arg22: memref<64xi32, #tpu.memory_space<vmem>>, %arg23: memref<64xi32, #tpu.memory_space<vmem>>, %arg24: memref<64xf32, #tpu.memory_space<vmem>>, %arg25: memref<64xf32, #tpu.memory_space<vmem>>, %arg26: memref<64xf32, #tpu.memory_space<vmem>>, %arg27: memref<64xf32, #tpu.memory_space<vmem>>, %arg28: memref<64xf32, #tpu.memory_space<vmem>>, %arg29: memref<64xf32, #tpu.memory_space<vmem>>, %arg30: memref<64xf32, #tpu.memory_space<vmem>>, %arg31: memref<64xf32, #tpu.memory_space<vmem>>, %arg32: memref<64xf32, #tpu.memory_space<vmem>>, %arg33: memref<64xf32, #tpu.memory_space<vmem>>, %arg34: memref<64xf32, #tpu.memory_space<vmem>>, %arg35: memref<64xf32, #tpu.memory_space<vmem>>, %arg36: memref<512xf32, #tpu.memory_space<vmem>>, %arg37: memref<8192xf32, #tpu.memory_space<vmem_shared>>, %arg38: memref<8192xf32, #tpu.memory_space<vmem>>, %arg39: memref<16xf32, #tpu.memory_space<vmem>>, %arg40: memref<!tpu.dma_semaphore, #tpu.memory_space<semaphore_mem>>) attributes {dimension_semantics = [#tpu.dimension_semantics<core_parallel>, #tpu.dimension_semantics<subcore_parallel>], iteration_bounds = array<i64: 2, 16>, scalar_prefetch = 0 : i64, scratch_operands = 26 : i64, tpu.core_type = #tpu.core_type<sc_vector_subcore>, window_params = [{transform_indices = #map}, {transform_indices = #map}, {transform_indices = #map}, {transform_indices = #map}, {transform_indices = #map}, {transform_indices = #map1}, {transform_indices = #map1}, {transform_indices = #map1}, {transform_indices = #map1}, {transform_indices = #map1}, {transform_indices = #map1}, {transform_indices = #map1}, {transform_indices = #map}]} {
    %mul3A = arith.constant 2 : i32
    %mul3A_0 = arith.muli %arg1, %mul3A : i32
    %add3A = arith.addi %mul3A_0, %arg0 : i32
    "tpu.region"() ({
      %run_scoped3A = tpu.sem_alloc : memref<!tpu.dma_semaphore, #tpu.memory_space<semaphore_mem>>
      %dma_start3A_85 = arith.constant 0 : i32
      %dma_start3A_86 = tpu.memref_slice %arg2[%add3A, %dma_start3A_85] : memref<32x8192xf32, #tpu.memory_space<hbm>> -> memref<1x8192xf32, #tpu.memory_space<hbm>>
      %dma_start3A_87 = tpu.memref_squeeze %dma_start3A_86 : memref<1x8192xf32, #tpu.memory_space<hbm>> -> memref<8192xf32, #tpu.memory_space<hbm>>
      %dma_start3A_88 = arith.constant 0 : i32
      %dma_start3A_89 = tpu.memref_slice %arg2[%add3A, %dma_start3A_88] : memref<32x8192xf32, #tpu.memory_space<hbm>> -> memref<1x8192xf32, #tpu.memory_space<hbm>>
      %dma_start3A_90 = tpu.memref_squeeze %dma_start3A_89 : memref<1x8192xf32, #tpu.memory_space<hbm>> -> memref<8192xf32, #tpu.memory_space<hbm>>
      tpu.enqueue_dma source(%dma_start3A_90 : memref<8192xf32, #tpu.memory_space<hbm>>) target(%arg15 : memref<8192xf32, #tpu.memory_space<vmem>>) target_semaphore(%run_scoped3A : memref<!tpu.dma_semaphore, #tpu.memory_space<semaphore_mem>>)
      %dma_wait3A_91 = arith.constant 0 : i32
      %dma_wait3A_92 = tpu.memref_slice %arg2[%add3A, %dma_wait3A_91] : memref<32x8192xf32, #tpu.memory_space<hbm>> -> memref<1x8192xf32, #tpu.memory_space<hbm>>
      %dma_wait3A_93 = tpu.memref_squeeze %dma_wait3A_92 : memref<1x8192xf32, #tpu.memory_space<hbm>> -> memref<8192xf32, #tpu.memory_space<hbm>>
      %dma_wait3A_94 = arith.constant 0 : i32
      %dma_wait3A_95 = tpu.memref_slice %arg2[%add3A, %dma_wait3A_94] : memref<32x8192xf32, #tpu.memory_space<hbm>> -> memref<1x8192xf32, #tpu.memory_space<hbm>>
      %dma_wait3A_96 = tpu.memref_squeeze %dma_wait3A_95 : memref<1x8192xf32, #tpu.memory_space<hbm>> -> memref<8192xf32, #tpu.memory_space<hbm>>
      tpu.wait_dma2 semaphore(%run_scoped3A : memref<!tpu.dma_semaphore, #tpu.memory_space<semaphore_mem>>) src(%dma_wait3A_96 : memref<8192xf32, #tpu.memory_space<hbm>>) dst(%arg15 : memref<8192xf32, #tpu.memory_space<vmem>>)
      tpu.yield
    }) : () -> ()
    "tpu.region"() ({
      %run_scoped3A = tpu.sem_alloc : memref<!tpu.dma_semaphore, #tpu.memory_space<semaphore_mem>>
      %dma_start3A_85 = arith.constant 0 : i32
      %dma_start3A_86 = tpu.memref_slice %arg3[%add3A, %dma_start3A_85] : memref<32x8192xf32, #tpu.memory_space<hbm>> -> memref<1x8192xf32, #tpu.memory_space<hbm>>
      %dma_start3A_87 = tpu.memref_squeeze %dma_start3A_86 : memref<1x8192xf32, #tpu.memory_space<hbm>> -> memref<8192xf32, #tpu.memory_space<hbm>>
      %dma_start3A_88 = arith.constant 0 : i32
      %dma_start3A_89 = tpu.memref_slice %arg3[%add3A, %dma_start3A_88] : memref<32x8192xf32, #tpu.memory_space<hbm>> -> memref<1x8192xf32, #tpu.memory_space<hbm>>
      %dma_start3A_90 = tpu.memref_squeeze %dma_start3A_89 : memref<1x8192xf32, #tpu.memory_space<hbm>> -> memref<8192xf32, #tpu.memory_space<hbm>>
      tpu.enqueue_dma source(%dma_start3A_90 : memref<8192xf32, #tpu.memory_space<hbm>>) target(%arg16 : memref<8192xf32, #tpu.memory_space<vmem>>) target_semaphore(%run_scoped3A : memref<!tpu.dma_semaphore, #tpu.memory_space<semaphore_mem>>)
      %dma_wait3A_91 = arith.constant 0 : i32
      %dma_wait3A_92 = tpu.memref_slice %arg3[%add3A, %dma_wait3A_91] : memref<32x8192xf32, #tpu.memory_space<hbm>> -> memref<1x8192xf32, #tpu.memory_space<hbm>>
      %dma_wait3A_93 = tpu.memref_squeeze %dma_wait3A_92 : memref<1x8192xf32, #tpu.memory_space<hbm>> -> memref<8192xf32, #tpu.memory_space<hbm>>
      %dma_wait3A_94 = arith.constant 0 : i32
      %dma_wait3A_95 = tpu.memref_slice %arg3[%add3A, %dma_wait3A_94] : memref<32x8192xf32, #tpu.memory_space<hbm>> -> memref<1x8192xf32, #tpu.memory_space<hbm>>
      %dma_wait3A_96 = tpu.memref_squeeze %dma_wait3A_95 : memref<1x8192xf32, #tpu.memory_space<hbm>> -> memref<8192xf32, #tpu.memory_space<hbm>>
      tpu.wait_dma2 semaphore(%run_scoped3A : memref<!tpu.dma_semaphore, #tpu.memory_space<semaphore_mem>>) src(%dma_wait3A_96 : memref<8192xf32, #tpu.memory_space<hbm>>) dst(%arg16 : memref<8192xf32, #tpu.memory_space<vmem>>)
      tpu.yield
    }) : () -> ()
    "tpu.region"() ({
      %run_scoped3A = tpu.sem_alloc : memref<!tpu.dma_semaphore, #tpu.memory_space<semaphore_mem>>
      %dma_start3A_85 = arith.constant 0 : i32
      %dma_start3A_86 = tpu.memref_slice %arg4[%add3A, %dma_start3A_85] : memref<32x8192xf32, #tpu.memory_space<hbm>> -> memref<1x8192xf32, #tpu.memory_space<hbm>>
      %dma_start3A_87 = tpu.memref_squeeze %dma_start3A_86 : memref<1x8192xf32, #tpu.memory_space<hbm>> -> memref<8192xf32, #tpu.memory_space<hbm>>
      %dma_start3A_88 = arith.constant 0 : i32
      %dma_start3A_89 = tpu.memref_slice %arg4[%add3A, %dma_start3A_88] : memref<32x8192xf32, #tpu.memory_space<hbm>> -> memref<1x8192xf32, #tpu.memory_space<hbm>>
      %dma_start3A_90 = tpu.memref_squeeze %dma_start3A_89 : memref<1x8192xf32, #tpu.memory_space<hbm>> -> memref<8192xf32, #tpu.memory_space<hbm>>
      tpu.enqueue_dma source(%dma_start3A_90 : memref<8192xf32, #tpu.memory_space<hbm>>) target(%arg17 : memref<8192xf32, #tpu.memory_space<vmem>>) target_semaphore(%run_scoped3A : memref<!tpu.dma_semaphore, #tpu.memory_space<semaphore_mem>>)
      %dma_wait3A_91 = arith.constant 0 : i32
      %dma_wait3A_92 = tpu.memref_slice %arg4[%add3A, %dma_wait3A_91] : memref<32x8192xf32, #tpu.memory_space<hbm>> -> memref<1x8192xf32, #tpu.memory_space<hbm>>
      %dma_wait3A_93 = tpu.memref_squeeze %dma_wait3A_92 : memref<1x8192xf32, #tpu.memory_space<hbm>> -> memref<8192xf32, #tpu.memory_space<hbm>>
      %dma_wait3A_94 = arith.constant 0 : i32
      %dma_wait3A_95 = tpu.memref_slice %arg4[%add3A, %dma_wait3A_94] : memref<32x8192xf32, #tpu.memory_space<hbm>> -> memref<1x8192xf32, #tpu.memory_space<hbm>>
      %dma_wait3A_96 = tpu.memref_squeeze %dma_wait3A_95 : memref<1x8192xf32, #tpu.memory_space<hbm>> -> memref<8192xf32, #tpu.memory_space<hbm>>
      tpu.wait_dma2 semaphore(%run_scoped3A : memref<!tpu.dma_semaphore, #tpu.memory_space<semaphore_mem>>) src(%dma_wait3A_96 : memref<8192xf32, #tpu.memory_space<hbm>>) dst(%arg17 : memref<8192xf32, #tpu.memory_space<vmem>>)
      tpu.yield
    }) : () -> ()
    "tpu.region"() ({
      %run_scoped3A = tpu.sem_alloc : memref<!tpu.dma_semaphore, #tpu.memory_space<semaphore_mem>>
      %dma_start3A_85 = arith.constant 0 : i32
      %dma_start3A_86 = tpu.memref_slice %arg5[%add3A, %dma_start3A_85] : memref<32x256xi32, #tpu.memory_space<hbm>> -> memref<1x256xi32, #tpu.memory_space<hbm>>
      %dma_start3A_87 = tpu.memref_squeeze %dma_start3A_86 : memref<1x256xi32, #tpu.memory_space<hbm>> -> memref<256xi32, #tpu.memory_space<hbm>>
      %dma_start3A_88 = arith.constant 0 : i32
      %dma_start3A_89 = tpu.memref_slice %arg5[%add3A, %dma_start3A_88] : memref<32x256xi32, #tpu.memory_space<hbm>> -> memref<1x256xi32, #tpu.memory_space<hbm>>
      %dma_start3A_90 = tpu.memref_squeeze %dma_start3A_89 : memref<1x256xi32, #tpu.memory_space<hbm>> -> memref<256xi32, #tpu.memory_space<hbm>>
      tpu.enqueue_dma source(%dma_start3A_90 : memref<256xi32, #tpu.memory_space<hbm>>) target(%arg18 : memref<256xi32, #tpu.memory_space<vmem>>) target_semaphore(%run_scoped3A : memref<!tpu.dma_semaphore, #tpu.memory_space<semaphore_mem>>)
      %dma_wait3A_91 = arith.constant 0 : i32
      %dma_wait3A_92 = tpu.memref_slice %arg5[%add3A, %dma_wait3A_91] : memref<32x256xi32, #tpu.memory_space<hbm>> -> memref<1x256xi32, #tpu.memory_space<hbm>>
      %dma_wait3A_93 = tpu.memref_squeeze %dma_wait3A_92 : memref<1x256xi32, #tpu.memory_space<hbm>> -> memref<256xi32, #tpu.memory_space<hbm>>
      %dma_wait3A_94 = arith.constant 0 : i32
      %dma_wait3A_95 = tpu.memref_slice %arg5[%add3A, %dma_wait3A_94] : memref<32x256xi32, #tpu.memory_space<hbm>> -> memref<1x256xi32, #tpu.memory_space<hbm>>
      %dma_wait3A_96 = tpu.memref_squeeze %dma_wait3A_95 : memref<1x256xi32, #tpu.memory_space<hbm>> -> memref<256xi32, #tpu.memory_space<hbm>>
      tpu.wait_dma2 semaphore(%run_scoped3A : memref<!tpu.dma_semaphore, #tpu.memory_space<semaphore_mem>>) src(%dma_wait3A_96 : memref<256xi32, #tpu.memory_space<hbm>>) dst(%arg18 : memref<256xi32, #tpu.memory_space<vmem>>)
      tpu.yield
    }) : () -> ()
    "tpu.region"() ({
      %run_scoped3A = tpu.sem_alloc : memref<!tpu.dma_semaphore, #tpu.memory_space<semaphore_mem>>
      %dma_start3A_85 = arith.constant 0 : i32
      %dma_start3A_86 = tpu.memref_slice %arg6[%add3A, %dma_start3A_85] : memref<32x1024xi32, #tpu.memory_space<hbm>> -> memref<1x1024xi32, #tpu.memory_space<hbm>>
      %dma_start3A_87 = tpu.memref_squeeze %dma_start3A_86 : memref<1x1024xi32, #tpu.memory_space<hbm>> -> memref<1024xi32, #tpu.memory_space<hbm>>
      %dma_start3A_88 = arith.constant 0 : i32
      %dma_start3A_89 = tpu.memref_slice %arg6[%add3A, %dma_start3A_88] : memref<32x1024xi32, #tpu.memory_space<hbm>> -> memref<1x1024xi32, #tpu.memory_space<hbm>>
      %dma_start3A_90 = tpu.memref_squeeze %dma_start3A_89 : memref<1x1024xi32, #tpu.memory_space<hbm>> -> memref<1024xi32, #tpu.memory_space<hbm>>
      tpu.enqueue_dma source(%dma_start3A_90 : memref<1024xi32, #tpu.memory_space<hbm>>) target(%arg19 : memref<1024xi32, #tpu.memory_space<vmem>>) target_semaphore(%run_scoped3A : memref<!tpu.dma_semaphore, #tpu.memory_space<semaphore_mem>>)
      %dma_wait3A_91 = arith.constant 0 : i32
      %dma_wait3A_92 = tpu.memref_slice %arg6[%add3A, %dma_wait3A_91] : memref<32x1024xi32, #tpu.memory_space<hbm>> -> memref<1x1024xi32, #tpu.memory_space<hbm>>
      %dma_wait3A_93 = tpu.memref_squeeze %dma_wait3A_92 : memref<1x1024xi32, #tpu.memory_space<hbm>> -> memref<1024xi32, #tpu.memory_space<hbm>>
      %dma_wait3A_94 = arith.constant 0 : i32
      %dma_wait3A_95 = tpu.memref_slice %arg6[%add3A, %dma_wait3A_94] : memref<32x1024xi32, #tpu.memory_space<hbm>> -> memref<1x1024xi32, #tpu.memory_space<hbm>>
      %dma_wait3A_96 = tpu.memref_squeeze %dma_wait3A_95 : memref<1x1024xi32, #tpu.memory_space<hbm>> -> memref<1024xi32, #tpu.memory_space<hbm>>
      tpu.wait_dma2 semaphore(%run_scoped3A : memref<!tpu.dma_semaphore, #tpu.memory_space<semaphore_mem>>) src(%dma_wait3A_96 : memref<1024xi32, #tpu.memory_space<hbm>>) dst(%arg19 : memref<1024xi32, #tpu.memory_space<vmem>>)
      tpu.yield
    }) : () -> ()
    "tpu.region"() ({
      %run_scoped3A = tpu.sem_alloc : memref<!tpu.dma_semaphore, #tpu.memory_space<semaphore_mem>>
      tpu.enqueue_dma source(%arg7 : memref<22624xi32, #tpu.memory_space<hbm>>) target(%arg20 : memref<22624xi32, #tpu.memory_space<vmem>>) target_semaphore(%run_scoped3A : memref<!tpu.dma_semaphore, #tpu.memory_space<semaphore_mem>>)
      tpu.wait_dma2 semaphore(%run_scoped3A : memref<!tpu.dma_semaphore, #tpu.memory_space<semaphore_mem>>) src(%arg7 : memref<22624xi32, #tpu.memory_space<hbm>>) dst(%arg20 : memref<22624xi32, #tpu.memory_space<vmem>>)
      tpu.yield
    }) : () -> ()
    %iota3A = tpu.iota {dimensions = array<i32: 0>} : vector<16xi32>
    %mul3A_1 = arith.constant 64 : i32
    %mul3A_2 = arith.muli %arg1, %mul3A_1 : i32
    %scan3A = arith.constant 0 : i32
    %scan3A_3 = arith.constant 0 : i32
    %scan3A_4 = arith.constant 4 : i32
    %scan3A_5 = arith.addi %scan3A_3, %scan3A_4 : i32
    %scan3A_6 = arith.constant 1 : i32
    scf.for %scan3A_85 = %scan3A_3 to %scan3A_5 step %scan3A_6  : i32 {
      %mul3A_86 = arith.constant 16 : i32
      %mul3A_87 = arith.muli %scan3A_85, %mul3A_86 : i32
      %add3A_88 = vector.broadcast %mul3A_87 : i32 to vector<16xi32>
      %add3A_89 = arith.addi %add3A_88, %iota3A : vector<16xi32>
      %add3A_90 = vector.broadcast %mul3A_2 : i32 to vector<16xi32>
      %add3A_91 = arith.addi %add3A_90, %add3A_89 : vector<16xi32>
      %shift_right_arithmetic3A = arith.constant 5 : i32
      %shift_right_arithmetic3A_92 = vector.broadcast %shift_right_arithmetic3A : i32 to vector<16xi32>
      %shift_right_arithmetic3A_93 = arith.shrsi %add3A_91, %shift_right_arithmetic3A_92 : vector<16xi32>
      %mul3A_94 = arith.constant 32 : i32
      %mul3A_95 = vector.broadcast %mul3A_94 : i32 to vector<16xi32>
      %mul3A_96 = arith.muli %shift_right_arithmetic3A_93, %mul3A_95 : vector<16xi32>
      %broadcast_in_dim3A_97 = arith.constant 0 : i32
      %broadcast_in_dim3A_98 = vector.broadcast %broadcast_in_dim3A_97 : i32 to vector<16xi32>
      %broadcast_in_dim3A_99 = arith.constant 0 : i32
      %broadcast_in_dim3A_100 = vector.broadcast %broadcast_in_dim3A_99 : i32 to vector<16xi32>
      %add3A_101 = arith.constant 0 : i32
      %add3A_102 = vector.broadcast %add3A_101 : i32 to vector<16xi32>
      %add3A_103 = arith.addi %add3A_102, %add3A_91 : vector<16xi32>
      %gather3A = tpu.vector_load_idx %arg20[%add3A_103] : memref<22624xi32, #tpu.memory_space<vmem>>[vector<16xi32>], vector<16xi32>,
      %add3A_104 = arith.constant 4096 : i32
      %add3A_105 = vector.broadcast %add3A_104 : i32 to vector<16xi32>
      %add3A_106 = arith.addi %add3A_105, %mul3A_96 : vector<16xi32>
      %add3A_107 = arith.addi %add3A_106, %gather3A : vector<16xi32>
      %gather3A_108 = tpu.vector_load_idx %arg20[%add3A_107] : memref<22624xi32, #tpu.memory_space<vmem>>[vector<16xi32>], vector<16xi32>,
      %mul3A_109 = arith.constant 131 : i32
      %mul3A_110 = vector.broadcast %mul3A_109 : i32 to vector<16xi32>
      %mul3A_111 = arith.muli %gather3A_108, %mul3A_110 : vector<16xi32>
      %add3A_112 = arith.addi %broadcast_in_dim3A_98, %mul3A_111 : vector<16xi32>
      %add3A_113 = arith.constant 5120 : i32
      %add3A_114 = vector.broadcast %add3A_113 : i32 to vector<16xi32>
      %add3A_115 = arith.addi %add3A_114, %mul3A_96 : vector<16xi32>
      %add3A_116 = arith.addi %add3A_115, %gather3A : vector<16xi32>
      %gather3A_117 = tpu.vector_load_idx %arg20[%add3A_116] : memref<22624xi32, #tpu.memory_space<vmem>>[vector<16xi32>], vector<16xi32>,
      %mul3A_118 = arith.constant 131 : i32
      %mul3A_119 = vector.broadcast %mul3A_118 : i32 to vector<16xi32>
      %mul3A_120 = arith.muli %gather3A_117, %mul3A_119 : vector<16xi32>
      %add3A_121 = arith.addi %broadcast_in_dim3A_100, %mul3A_120 : vector<16xi32>
      %add3A_122 = arith.constant 1024 : i32
      %add3A_123 = vector.broadcast %add3A_122 : i32 to vector<16xi32>
      %add3A_124 = arith.addi %add3A_123, %add3A_91 : vector<16xi32>
      %gather3A_125 = tpu.vector_load_idx %arg20[%add3A_124] : memref<22624xi32, #tpu.memory_space<vmem>>[vector<16xi32>], vector<16xi32>,
      %add3A_126 = arith.constant 4096 : i32
      %add3A_127 = vector.broadcast %add3A_126 : i32 to vector<16xi32>
      %add3A_128 = arith.addi %add3A_127, %mul3A_96 : vector<16xi32>
      %add3A_129 = arith.addi %add3A_128, %gather3A_125 : vector<16xi32>
      %gather3A_130 = tpu.vector_load_idx %arg20[%add3A_129] : memref<22624xi32, #tpu.memory_space<vmem>>[vector<16xi32>], vector<16xi32>,
      %mul3A_131 = arith.constant 31 : i32
      %mul3A_132 = vector.broadcast %mul3A_131 : i32 to vector<16xi32>
      %mul3A_133 = arith.muli %gather3A_130, %mul3A_132 : vector<16xi32>
      %add3A_134 = arith.addi %add3A_112, %mul3A_133 : vector<16xi32>
      %add3A_135 = arith.constant 5120 : i32
      %add3A_136 = vector.broadcast %add3A_135 : i32 to vector<16xi32>
      %add3A_137 = arith.addi %add3A_136, %mul3A_96 : vector<16xi32>
      %add3A_138 = arith.addi %add3A_137, %gather3A_125 : vector<16xi32>
      %gather3A_139 = tpu.vector_load_idx %arg20[%add3A_138] : memref<22624xi32, #tpu.memory_space<vmem>>[vector<16xi32>], vector<16xi32>,
      %mul3A_140 = arith.constant 31 : i32
      %mul3A_141 = vector.broadcast %mul3A_140 : i32 to vector<16xi32>
      %mul3A_142 = arith.muli %gather3A_139, %mul3A_141 : vector<16xi32>
      %add3A_143 = arith.addi %add3A_121, %mul3A_142 : vector<16xi32>
      %add3A_144 = arith.constant 2048 : i32
      %add3A_145 = vector.broadcast %add3A_144 : i32 to vector<16xi32>
      %add3A_146 = arith.addi %add3A_145, %add3A_91 : vector<16xi32>
      %gather3A_147 = tpu.vector_load_idx %arg20[%add3A_146] : memref<22624xi32, #tpu.memory_space<vmem>>[vector<16xi32>], vector<16xi32>,
      %add3A_148 = arith.constant 4096 : i32
      %add3A_149 = vector.broadcast %add3A_148 : i32 to vector<16xi32>
      %add3A_150 = arith.addi %add3A_149, %mul3A_96 : vector<16xi32>
      %add3A_151 = arith.addi %add3A_150, %gather3A_147 : vector<16xi32>
      %gather3A_152 = tpu.vector_load_idx %arg20[%add3A_151] : memref<22624xi32, #tpu.memory_space<vmem>>[vector<16xi32>], vector<16xi32>,
      %mul3A_153 = arith.constant 7 : i32
      %mul3A_154 = vector.broadcast %mul3A_153 : i32 to vector<16xi32>
      %mul3A_155 = arith.muli %gather3A_152, %mul3A_154 : vector<16xi32>
      %add3A_156 = arith.addi %add3A_134, %mul3A_155 : vector<16xi32>
      %add3A_157 = arith.constant 5120 : i32
      %add3A_158 = vector.broadcast %add3A_157 : i32 to vector<16xi32>
      %add3A_159 = arith.addi %add3A_158, %mul3A_96 : vector<16xi32>
      %add3A_160 = arith.addi %add3A_159, %gather3A_147 : vector<16xi32>
      %gather3A_161 = tpu.vector_load_idx %arg20[%add3A_160] : memref<22624xi32, #tpu.memory_space<vmem>>[vector<16xi32>], vector<16xi32>,
      %mul3A_162 = arith.constant 7 : i32
      %mul3A_163 = vector.broadcast %mul3A_162 : i32 to vector<16xi32>
      %mul3A_164 = arith.muli %gather3A_161, %mul3A_163 : vector<16xi32>
      %add3A_165 = arith.addi %add3A_143, %mul3A_164 : vector<16xi32>
      %add3A_166 = arith.constant 3072 : i32
      %add3A_167 = vector.broadcast %add3A_166 : i32 to vector<16xi32>
      %add3A_168 = arith.addi %add3A_167, %add3A_91 : vector<16xi32>
      %gather3A_169 = tpu.vector_load_idx %arg20[%add3A_168] : memref<22624xi32, #tpu.memory_space<vmem>>[vector<16xi32>], vector<16xi32>,
      %add3A_170 = arith.constant 4096 : i32
      %add3A_171 = vector.broadcast %add3A_170 : i32 to vector<16xi32>
      %add3A_172 = arith.addi %add3A_171, %mul3A_96 : vector<16xi32>
      %add3A_173 = arith.addi %add3A_172, %gather3A_169 : vector<16xi32>
      %gather3A_174 = tpu.vector_load_idx %arg20[%add3A_173] : memref<22624xi32, #tpu.memory_space<vmem>>[vector<16xi32>], vector<16xi32>,
      %mul3A_175 = arith.constant 1 : i32
      %mul3A_176 = vector.broadcast %mul3A_175 : i32 to vector<16xi32>
      %mul3A_177 = arith.muli %gather3A_174, %mul3A_176 : vector<16xi32>
      %add3A_178 = arith.addi %add3A_156, %mul3A_177 : vector<16xi32>
      %add3A_179 = arith.constant 5120 : i32
      %add3A_180 = vector.broadcast %add3A_179 : i32 to vector<16xi32>
      %add3A_181 = arith.addi %add3A_180, %mul3A_96 : vector<16xi32>
      %add3A_182 = arith.addi %add3A_181, %gather3A_169 : vector<16xi32>
      %gather3A_183 = tpu.vector_load_idx %arg20[%add3A_182] : memref<22624xi32, #tpu.memory_space<vmem>>[vector<16xi32>], vector<16xi32>,
      %mul3A_184 = arith.constant 1 : i32
      %mul3A_185 = vector.broadcast %mul3A_184 : i32 to vector<16xi32>
      %mul3A_186 = arith.muli %gather3A_183, %mul3A_185 : vector<16xi32>
      %add3A_187 = arith.addi %add3A_165, %mul3A_186 : vector<16xi32>
      tpu.vector_store_idx %arg21[%add3A_89], %add3A_178 : memref<64xi32, #tpu.memory_space<vmem>>[vector<16xi32>], vector<16xi32>,
      %and3A = arith.constant 16383 : i32
      %and3A_188 = vector.broadcast %and3A : i32 to vector<16xi32>
      %and3A_189 = arith.andi %add3A_178, %and3A_188 : vector<16xi32>
      %and3A_190 = arith.constant 16383 : i32
      %and3A_191 = vector.broadcast %and3A_190 : i32 to vector<16xi32>
      %and3A_192 = arith.andi %add3A_187, %and3A_191 : vector<16xi32>
      tpu.vector_store_idx %arg22[%add3A_89], %and3A_189 : memref<64xi32, #tpu.memory_space<vmem>>[vector<16xi32>], vector<16xi32>,
      tpu.vector_store_idx %arg23[%add3A_89], %and3A_192 : memref<64xi32, #tpu.memory_space<vmem>>[vector<16xi32>], vector<16xi32>,
    }
    %scan3A_7 = arith.constant 4 : i32
    %dma_start3A = arith.constant 0 : i32
    %dma_start3A_8 = tpu.memref_slice %arg8[%dma_start3A] : memref<16384xf32, #tpu.memory_space<hbm>> -> memref<16384xf32, #tpu.memory_space<hbm>>
    tpu.enqueue_indirect_dma source(%dma_start3A_8 : memref<16384xf32, #tpu.memory_space<hbm>>) target(%arg24 : memref<64xf32, #tpu.memory_space<vmem>>) offsets(%arg22 : memref<64xi32, #tpu.memory_space<vmem>>) semaphore(%arg40 : memref<!tpu.dma_semaphore, #tpu.memory_space<semaphore_mem>>)
    %dma_start3A_9 = arith.constant 0 : i32
    %dma_start3A_10 = tpu.memref_slice %arg8[%dma_start3A_9] : memref<16384xf32, #tpu.memory_space<hbm>> -> memref<16384xf32, #tpu.memory_space<hbm>>
    tpu.enqueue_indirect_dma source(%dma_start3A_10 : memref<16384xf32, #tpu.memory_space<hbm>>) target(%arg30 : memref<64xf32, #tpu.memory_space<vmem>>) offsets(%arg23 : memref<64xi32, #tpu.memory_space<vmem>>) semaphore(%arg40 : memref<!tpu.dma_semaphore, #tpu.memory_space<semaphore_mem>>)
    %dma_start3A_11 = arith.constant 0 : i32
    %dma_start3A_12 = tpu.memref_slice %arg9[%dma_start3A_11] : memref<16384xf32, #tpu.memory_space<hbm>> -> memref<16384xf32, #tpu.memory_space<hbm>>
    tpu.enqueue_indirect_dma source(%dma_start3A_12 : memref<16384xf32, #tpu.memory_space<hbm>>) target(%arg25 : memref<64xf32, #tpu.memory_space<vmem>>) offsets(%arg22 : memref<64xi32, #tpu.memory_space<vmem>>) semaphore(%arg40 : memref<!tpu.dma_semaphore, #tpu.memory_space<semaphore_mem>>)
    %dma_start3A_13 = arith.constant 0 : i32
    %dma_start3A_14 = tpu.memref_slice %arg9[%dma_start3A_13] : memref<16384xf32, #tpu.memory_space<hbm>> -> memref<16384xf32, #tpu.memory_space<hbm>>
    tpu.enqueue_indirect_dma source(%dma_start3A_14 : memref<16384xf32, #tpu.memory_space<hbm>>) target(%arg31 : memref<64xf32, #tpu.memory_space<vmem>>) offsets(%arg23 : memref<64xi32, #tpu.memory_space<vmem>>) semaphore(%arg40 : memref<!tpu.dma_semaphore, #tpu.memory_space<semaphore_mem>>)
    %dma_start3A_15 = arith.constant 0 : i32
    %dma_start3A_16 = tpu.memref_slice %arg10[%dma_start3A_15] : memref<16384xf32, #tpu.memory_space<hbm>> -> memref<16384xf32, #tpu.memory_space<hbm>>
    tpu.enqueue_indirect_dma source(%dma_start3A_16 : memref<16384xf32, #tpu.memory_space<hbm>>) target(%arg26 : memref<64xf32, #tpu.memory_space<vmem>>) offsets(%arg22 : memref<64xi32, #tpu.memory_space<vmem>>) semaphore(%arg40 : memref<!tpu.dma_semaphore, #tpu.memory_space<semaphore_mem>>)
    %dma_start3A_17 = arith.constant 0 : i32
    %dma_start3A_18 = tpu.memref_slice %arg10[%dma_start3A_17] : memref<16384xf32, #tpu.memory_space<hbm>> -> memref<16384xf32, #tpu.memory_space<hbm>>
    tpu.enqueue_indirect_dma source(%dma_start3A_18 : memref<16384xf32, #tpu.memory_space<hbm>>) target(%arg32 : memref<64xf32, #tpu.memory_space<vmem>>) offsets(%arg23 : memref<64xi32, #tpu.memory_space<vmem>>) semaphore(%arg40 : memref<!tpu.dma_semaphore, #tpu.memory_space<semaphore_mem>>)
    %dma_start3A_19 = arith.constant 0 : i32
    %dma_start3A_20 = tpu.memref_slice %arg11[%dma_start3A_19] : memref<16384xf32, #tpu.memory_space<hbm>> -> memref<16384xf32, #tpu.memory_space<hbm>>
    tpu.enqueue_indirect_dma source(%dma_start3A_20 : memref<16384xf32, #tpu.memory_space<hbm>>) target(%arg27 : memref<64xf32, #tpu.memory_space<vmem>>) offsets(%arg22 : memref<64xi32, #tpu.memory_space<vmem>>) semaphore(%arg40 : memref<!tpu.dma_semaphore, #tpu.memory_space<semaphore_mem>>)
    %dma_start3A_21 = arith.constant 0 : i32
    %dma_start3A_22 = tpu.memref_slice %arg11[%dma_start3A_21] : memref<16384xf32, #tpu.memory_space<hbm>> -> memref<16384xf32, #tpu.memory_space<hbm>>
    tpu.enqueue_indirect_dma source(%dma_start3A_22 : memref<16384xf32, #tpu.memory_space<hbm>>) target(%arg33 : memref<64xf32, #tpu.memory_space<vmem>>) offsets(%arg23 : memref<64xi32, #tpu.memory_space<vmem>>) semaphore(%arg40 : memref<!tpu.dma_semaphore, #tpu.memory_space<semaphore_mem>>)
    %dma_start3A_23 = arith.constant 0 : i32
    %dma_start3A_24 = tpu.memref_slice %arg12[%dma_start3A_23] : memref<16384xf32, #tpu.memory_space<hbm>> -> memref<16384xf32, #tpu.memory_space<hbm>>
    tpu.enqueue_indirect_dma source(%dma_start3A_24 : memref<16384xf32, #tpu.memory_space<hbm>>) target(%arg28 : memref<64xf32, #tpu.memory_space<vmem>>) offsets(%arg22 : memref<64xi32, #tpu.memory_space<vmem>>) semaphore(%arg40 : memref<!tpu.dma_semaphore, #tpu.memory_space<semaphore_mem>>)
    %dma_start3A_25 = arith.constant 0 : i32
    %dma_start3A_26 = tpu.memref_slice %arg12[%dma_start3A_25] : memref<16384xf32, #tpu.memory_space<hbm>> -> memref<16384xf32, #tpu.memory_space<hbm>>
    tpu.enqueue_indirect_dma source(%dma_start3A_26 : memref<16384xf32, #tpu.memory_space<hbm>>) target(%arg34 : memref<64xf32, #tpu.memory_space<vmem>>) offsets(%arg23 : memref<64xi32, #tpu.memory_space<vmem>>) semaphore(%arg40 : memref<!tpu.dma_semaphore, #tpu.memory_space<semaphore_mem>>)
    %dma_start3A_27 = arith.constant 0 : i32
    %dma_start3A_28 = tpu.memref_slice %arg13[%dma_start3A_27] : memref<16384xf32, #tpu.memory_space<hbm>> -> memref<16384xf32, #tpu.memory_space<hbm>>
    tpu.enqueue_indirect_dma source(%dma_start3A_28 : memref<16384xf32, #tpu.memory_space<hbm>>) target(%arg29 : memref<64xf32, #tpu.memory_space<vmem>>) offsets(%arg22 : memref<64xi32, #tpu.memory_space<vmem>>) semaphore(%arg40 : memref<!tpu.dma_semaphore, #tpu.memory_space<semaphore_mem>>)
    %dma_start3A_29 = arith.constant 0 : i32
    %dma_start3A_30 = tpu.memref_slice %arg13[%dma_start3A_29] : memref<16384xf32, #tpu.memory_space<hbm>> -> memref<16384xf32, #tpu.memory_space<hbm>>
    tpu.enqueue_indirect_dma source(%dma_start3A_30 : memref<16384xf32, #tpu.memory_space<hbm>>) target(%arg35 : memref<64xf32, #tpu.memory_space<vmem>>) offsets(%arg23 : memref<64xi32, #tpu.memory_space<vmem>>) semaphore(%arg40 : memref<!tpu.dma_semaphore, #tpu.memory_space<semaphore_mem>>)
    %dma_wait3A = arith.constant 0 : i32
    %dma_wait3A_31 = tpu.memref_slice %arg8[%dma_wait3A] : memref<16384xf32, #tpu.memory_space<hbm>> -> memref<16384xf32, #tpu.memory_space<hbm>>
    tpu.wait_indirect_dma semaphore(%arg40 : memref<!tpu.dma_semaphore, #tpu.memory_space<semaphore_mem>>) src(%dma_wait3A_31 : memref<16384xf32, #tpu.memory_space<hbm>>) dst(%arg24 : memref<64xf32, #tpu.memory_space<vmem>>)
    %dma_wait3A_32 = arith.constant 0 : i32
    %dma_wait3A_33 = tpu.memref_slice %arg8[%dma_wait3A_32] : memref<16384xf32, #tpu.memory_space<hbm>> -> memref<16384xf32, #tpu.memory_space<hbm>>
    tpu.wait_indirect_dma semaphore(%arg40 : memref<!tpu.dma_semaphore, #tpu.memory_space<semaphore_mem>>) src(%dma_wait3A_33 : memref<16384xf32, #tpu.memory_space<hbm>>) dst(%arg30 : memref<64xf32, #tpu.memory_space<vmem>>)
    %dma_wait3A_34 = arith.constant 0 : i32
    %dma_wait3A_35 = tpu.memref_slice %arg9[%dma_wait3A_34] : memref<16384xf32, #tpu.memory_space<hbm>> -> memref<16384xf32, #tpu.memory_space<hbm>>
    tpu.wait_indirect_dma semaphore(%arg40 : memref<!tpu.dma_semaphore, #tpu.memory_space<semaphore_mem>>) src(%dma_wait3A_35 : memref<16384xf32, #tpu.memory_space<hbm>>) dst(%arg25 : memref<64xf32, #tpu.memory_space<vmem>>)
    %dma_wait3A_36 = arith.constant 0 : i32
    %dma_wait3A_37 = tpu.memref_slice %arg9[%dma_wait3A_36] : memref<16384xf32, #tpu.memory_space<hbm>> -> memref<16384xf32, #tpu.memory_space<hbm>>
    tpu.wait_indirect_dma semaphore(%arg40 : memref<!tpu.dma_semaphore, #tpu.memory_space<semaphore_mem>>) src(%dma_wait3A_37 : memref<16384xf32, #tpu.memory_space<hbm>>) dst(%arg31 : memref<64xf32, #tpu.memory_space<vmem>>)
    %dma_wait3A_38 = arith.constant 0 : i32
    %dma_wait3A_39 = tpu.memref_slice %arg10[%dma_wait3A_38] : memref<16384xf32, #tpu.memory_space<hbm>> -> memref<16384xf32, #tpu.memory_space<hbm>>
    tpu.wait_indirect_dma semaphore(%arg40 : memref<!tpu.dma_semaphore, #tpu.memory_space<semaphore_mem>>) src(%dma_wait3A_39 : memref<16384xf32, #tpu.memory_space<hbm>>) dst(%arg26 : memref<64xf32, #tpu.memory_space<vmem>>)
    %dma_wait3A_40 = arith.constant 0 : i32
    %dma_wait3A_41 = tpu.memref_slice %arg10[%dma_wait3A_40] : memref<16384xf32, #tpu.memory_space<hbm>> -> memref<16384xf32, #tpu.memory_space<hbm>>
    tpu.wait_indirect_dma semaphore(%arg40 : memref<!tpu.dma_semaphore, #tpu.memory_space<semaphore_mem>>) src(%dma_wait3A_41 : memref<16384xf32, #tpu.memory_space<hbm>>) dst(%arg32 : memref<64xf32, #tpu.memory_space<vmem>>)
    %dma_wait3A_42 = arith.constant 0 : i32
    %dma_wait3A_43 = tpu.memref_slice %arg11[%dma_wait3A_42] : memref<16384xf32, #tpu.memory_space<hbm>> -> memref<16384xf32, #tpu.memory_space<hbm>>
    tpu.wait_indirect_dma semaphore(%arg40 : memref<!tpu.dma_semaphore, #tpu.memory_space<semaphore_mem>>) src(%dma_wait3A_43 : memref<16384xf32, #tpu.memory_space<hbm>>) dst(%arg27 : memref<64xf32, #tpu.memory_space<vmem>>)
    %dma_wait3A_44 = arith.constant 0 : i32
    %dma_wait3A_45 = tpu.memref_slice %arg11[%dma_wait3A_44] : memref<16384xf32, #tpu.memory_space<hbm>> -> memref<16384xf32, #tpu.memory_space<hbm>>
    tpu.wait_indirect_dma semaphore(%arg40 : memref<!tpu.dma_semaphore, #tpu.memory_space<semaphore_mem>>) src(%dma_wait3A_45 : memref<16384xf32, #tpu.memory_space<hbm>>) dst(%arg33 : memref<64xf32, #tpu.memory_space<vmem>>)
    %dma_wait3A_46 = arith.constant 0 : i32
    %dma_wait3A_47 = tpu.memref_slice %arg12[%dma_wait3A_46] : memref<16384xf32, #tpu.memory_space<hbm>> -> memref<16384xf32, #tpu.memory_space<hbm>>
    tpu.wait_indirect_dma semaphore(%arg40 : memref<!tpu.dma_semaphore, #tpu.memory_space<semaphore_mem>>) src(%dma_wait3A_47 : memref<16384xf32, #tpu.memory_space<hbm>>) dst(%arg28 : memref<64xf32, #tpu.memory_space<vmem>>)
    %dma_wait3A_48 = arith.constant 0 : i32
    %dma_wait3A_49 = tpu.memref_slice %arg12[%dma_wait3A_48] : memref<16384xf32, #tpu.memory_space<hbm>> -> memref<16384xf32, #tpu.memory_space<hbm>>
    tpu.wait_indirect_dma semaphore(%arg40 : memref<!tpu.dma_semaphore, #tpu.memory_space<semaphore_mem>>) src(%dma_wait3A_49 : memref<16384xf32, #tpu.memory_space<hbm>>) dst(%arg34 : memref<64xf32, #tpu.memory_space<vmem>>)
    %dma_wait3A_50 = arith.constant 0 : i32
    %dma_wait3A_51 = tpu.memref_slice %arg13[%dma_wait3A_50] : memref<16384xf32, #tpu.memory_space<hbm>> -> memref<16384xf32, #tpu.memory_space<hbm>>
    tpu.wait_indirect_dma semaphore(%arg40 : memref<!tpu.dma_semaphore, #tpu.memory_space<semaphore_mem>>) src(%dma_wait3A_51 : memref<16384xf32, #tpu.memory_space<hbm>>) dst(%arg29 : memref<64xf32, #tpu.memory_space<vmem>>)
    %dma_wait3A_52 = arith.constant 0 : i32
    %dma_wait3A_53 = tpu.memref_slice %arg13[%dma_wait3A_52] : memref<16384xf32, #tpu.memory_space<hbm>> -> memref<16384xf32, #tpu.memory_space<hbm>>
    tpu.wait_indirect_dma semaphore(%arg40 : memref<!tpu.dma_semaphore, #tpu.memory_space<semaphore_mem>>) src(%dma_wait3A_53 : memref<16384xf32, #tpu.memory_space<hbm>>) dst(%arg35 : memref<64xf32, #tpu.memory_space<vmem>>)
    %scan3A_54 = arith.constant 0 : i32
    %scan3A_55 = arith.constant 0 : i32
    %scan3A_56 = arith.constant 4 : i32
    %scan3A_57 = arith.addi %scan3A_55, %scan3A_56 : i32
    %scan3A_58 = arith.constant 1 : i32
    scf.for %scan3A_85 = %scan3A_55 to %scan3A_57 step %scan3A_58  : i32 {
      %mul3A_86 = arith.constant 16 : i32
      %mul3A_87 = arith.muli %scan3A_85, %mul3A_86 : i32
      %add3A_88 = vector.broadcast %mul3A_87 : i32 to vector<16xi32>
      %add3A_89 = arith.addi %add3A_88, %iota3A : vector<16xi32>
      %add3A_90 = vector.broadcast %mul3A_2 : i32 to vector<16xi32>
      %add3A_91 = arith.addi %add3A_90, %add3A_89 : vector<16xi32>
      %shift_right_arithmetic3A = arith.constant 5 : i32
      %shift_right_arithmetic3A_92 = vector.broadcast %shift_right_arithmetic3A : i32 to vector<16xi32>
      %shift_right_arithmetic3A_93 = arith.shrsi %add3A_91, %shift_right_arithmetic3A_92 : vector<16xi32>
      %and3A = arith.constant 31 : i32
      %and3A_94 = vector.broadcast %and3A : i32 to vector<16xi32>
      %and3A_95 = arith.andi %add3A_91, %and3A_94 : vector<16xi32>
      %gather3A = tpu.vector_load_idx %arg21[%add3A_89] : memref<64xi32, #tpu.memory_space<vmem>>[vector<16xi32>], vector<16xi32>,
      %gather3A_96 = tpu.vector_load_idx %arg22[%add3A_89] : memref<64xi32, #tpu.memory_space<vmem>>[vector<16xi32>], vector<16xi32>,
      %add3A_97 = arith.constant 6240 : i32
      %add3A_98 = vector.broadcast %add3A_97 : i32 to vector<16xi32>
      %add3A_99 = arith.addi %add3A_98, %gather3A_96 : vector<16xi32>
      %gather3A_100 = tpu.vector_load_idx %arg20[%add3A_99] : memref<22624xi32, #tpu.memory_space<vmem>>[vector<16xi32>], vector<16xi32>,
      %eq3A_101 = arith.cmpi eq, %gather3A_100, %gather3A : vector<16xi32>
      %gather3A_102 = tpu.vector_load_idx %arg24[%add3A_89] : memref<64xf32, #tpu.memory_space<vmem>>[vector<16xi32>], vector<16xf32>,
      %gather3A_103 = tpu.vector_load_idx %arg30[%add3A_89] : memref<64xf32, #tpu.memory_space<vmem>>[vector<16xi32>], vector<16xf32>,
      %select_n3A_104 = arith.select %eq3A_101, %gather3A_102, %gather3A_103 : vector<16xi1>, vector<16xf32>
      %gather3A_105 = tpu.vector_load_idx %arg25[%add3A_89] : memref<64xf32, #tpu.memory_space<vmem>>[vector<16xi32>], vector<16xf32>,
      %gather3A_106 = tpu.vector_load_idx %arg31[%add3A_89] : memref<64xf32, #tpu.memory_space<vmem>>[vector<16xi32>], vector<16xf32>,
      %select_n3A_107 = arith.select %eq3A_101, %gather3A_105, %gather3A_106 : vector<16xi1>, vector<16xf32>
      %gather3A_108 = tpu.vector_load_idx %arg26[%add3A_89] : memref<64xf32, #tpu.memory_space<vmem>>[vector<16xi32>], vector<16xf32>,
      %gather3A_109 = tpu.vector_load_idx %arg32[%add3A_89] : memref<64xf32, #tpu.memory_space<vmem>>[vector<16xi32>], vector<16xf32>,
      %select_n3A_110 = arith.select %eq3A_101, %gather3A_108, %gather3A_109 : vector<16xi1>, vector<16xf32>
      %gather3A_111 = tpu.vector_load_idx %arg27[%add3A_89] : memref<64xf32, #tpu.memory_space<vmem>>[vector<16xi32>], vector<16xf32>,
      %gather3A_112 = tpu.vector_load_idx %arg33[%add3A_89] : memref<64xf32, #tpu.memory_space<vmem>>[vector<16xi32>], vector<16xf32>,
      %select_n3A_113 = arith.select %eq3A_101, %gather3A_111, %gather3A_112 : vector<16xi1>, vector<16xf32>
      %gather3A_114 = tpu.vector_load_idx %arg28[%add3A_89] : memref<64xf32, #tpu.memory_space<vmem>>[vector<16xi32>], vector<16xf32>,
      %gather3A_115 = tpu.vector_load_idx %arg34[%add3A_89] : memref<64xf32, #tpu.memory_space<vmem>>[vector<16xi32>], vector<16xf32>,
      %select_n3A_116 = arith.select %eq3A_101, %gather3A_114, %gather3A_115 : vector<16xi1>, vector<16xf32>
      %gather3A_117 = tpu.vector_load_idx %arg29[%add3A_89] : memref<64xf32, #tpu.memory_space<vmem>>[vector<16xi32>], vector<16xf32>,
      %gather3A_118 = tpu.vector_load_idx %arg35[%add3A_89] : memref<64xf32, #tpu.memory_space<vmem>>[vector<16xi32>], vector<16xf32>,
      %select_n3A_119 = arith.select %eq3A_101, %gather3A_117, %gather3A_118 : vector<16xi1>, vector<16xf32>
      %mul3A_120 = arith.constant 4.000000e+00 : f32
      %mul3A_121 = vector.broadcast %mul3A_120 : f32 to vector<16xf32>
      %mul3A_122 = arith.mulf %select_n3A_119, %mul3A_121 : vector<16xf32>
      %convert_element_type3A = arith.fptosi %mul3A_122 : vector<16xf32> to vector<16xi32>
      %convert_element_type3A_123 = arith.sitofp %convert_element_type3A : vector<16xi32> to vector<16xf32>
      %sub3A = arith.subf %mul3A_122, %convert_element_type3A_123 : vector<16xf32>
      %mul3A_124 = arith.constant 1.57079637 : f32
      %mul3A_125 = vector.broadcast %mul3A_124 : f32 to vector<16xf32>
      %mul3A_126 = arith.mulf %sub3A, %mul3A_125 : vector<16xf32>
      %mul3A_127 = arith.mulf %mul3A_126, %mul3A_126 : vector<16xf32>
      %mul3A_128 = arith.constant 2.48015876E-5 : f32
      %mul3A_129 = vector.broadcast %mul3A_128 : f32 to vector<16xf32>
      %mul3A_130 = arith.mulf %mul3A_127, %mul3A_129 : vector<16xf32>
      %add3A_131 = arith.constant -0.00138888892 : f32
      %add3A_132 = vector.broadcast %add3A_131 : f32 to vector<16xf32>
      %add3A_133 = arith.addf %add3A_132, %mul3A_130 : vector<16xf32>
      %mul3A_134 = arith.mulf %mul3A_127, %add3A_133 : vector<16xf32>
      %add3A_135 = arith.constant 0.0416666679 : f32
      %add3A_136 = vector.broadcast %add3A_135 : f32 to vector<16xf32>
      %add3A_137 = arith.addf %add3A_136, %mul3A_134 : vector<16xf32>
      %mul3A_138 = arith.mulf %mul3A_127, %add3A_137 : vector<16xf32>
      %add3A_139 = arith.constant -5.000000e-01 : f32
      %add3A_140 = vector.broadcast %add3A_139 : f32 to vector<16xf32>
      %add3A_141 = arith.addf %add3A_140, %mul3A_138 : vector<16xf32>
      %mul3A_142 = arith.mulf %mul3A_127, %add3A_141 : vector<16xf32>
      %add3A_143 = arith.constant 1.000000e+00 : f32
      %add3A_144 = vector.broadcast %add3A_143 : f32 to vector<16xf32>
      %add3A_145 = arith.addf %add3A_144, %mul3A_142 : vector<16xf32>
      %mul3A_146 = arith.constant 2.75573188E-6 : f32
      %mul3A_147 = vector.broadcast %mul3A_146 : f32 to vector<16xf32>
      %mul3A_148 = arith.mulf %mul3A_127, %mul3A_147 : vector<16xf32>
      %add3A_149 = arith.constant -1.98412701E-4 : f32
      %add3A_150 = vector.broadcast %add3A_149 : f32 to vector<16xf32>
      %add3A_151 = arith.addf %add3A_150, %mul3A_148 : vector<16xf32>
      %mul3A_152 = arith.mulf %mul3A_127, %add3A_151 : vector<16xf32>
      %add3A_153 = arith.constant 0.00833333377 : f32
      %add3A_154 = vector.broadcast %add3A_153 : f32 to vector<16xf32>
      %add3A_155 = arith.addf %add3A_154, %mul3A_152 : vector<16xf32>
      %mul3A_156 = arith.mulf %mul3A_127, %add3A_155 : vector<16xf32>
      %add3A_157 = arith.constant -0.166666672 : f32
      %add3A_158 = vector.broadcast %add3A_157 : f32 to vector<16xf32>
      %add3A_159 = arith.addf %add3A_158, %mul3A_156 : vector<16xf32>
      %mul3A_160 = arith.mulf %mul3A_127, %add3A_159 : vector<16xf32>
      %add3A_161 = arith.constant 1.000000e+00 : f32
      %add3A_162 = vector.broadcast %add3A_161 : f32 to vector<16xf32>
      %add3A_163 = arith.addf %add3A_162, %mul3A_160 : vector<16xf32>
      %mul3A_164 = arith.mulf %mul3A_126, %add3A_163 : vector<16xf32>
      %eq3A_165 = arith.constant 1 : i32
      %eq3A_166 = vector.broadcast %eq3A_165 : i32 to vector<16xi32>
      %eq3A_167 = arith.cmpi eq, %convert_element_type3A, %eq3A_166 : vector<16xi32>
      %eq3A_168 = arith.constant 2 : i32
      %eq3A_169 = vector.broadcast %eq3A_168 : i32 to vector<16xi32>
      %eq3A_170 = arith.cmpi eq, %convert_element_type3A, %eq3A_169 : vector<16xi32>
      %eq3A_171 = arith.constant 3 : i32
      %eq3A_172 = vector.broadcast %eq3A_171 : i32 to vector<16xi32>
      %eq3A_173 = arith.cmpi eq, %convert_element_type3A, %eq3A_172 : vector<16xi32>
      %neg3A = arith.constant 0.000000e+00 : f32
      %neg3A_174 = vector.broadcast %neg3A : f32 to vector<16xf32>
      %neg3A_175 = arith.subf %neg3A_174, %mul3A_164 : vector<16xf32>
      %neg3A_176 = arith.constant 0.000000e+00 : f32
      %neg3A_177 = vector.broadcast %neg3A_176 : f32 to vector<16xf32>
      %neg3A_178 = arith.subf %neg3A_177, %add3A_145 : vector<16xf32>
      %select_n3A_179 = arith.select %eq3A_173, %mul3A_164, %add3A_145 : vector<16xi1>, vector<16xf32>
      %select_n3A_180 = arith.select %eq3A_170, %neg3A_178, %select_n3A_179 : vector<16xi1>, vector<16xf32>
      %select_n3A_181 = arith.select %eq3A_167, %neg3A_175, %select_n3A_180 : vector<16xi1>, vector<16xf32>
      %neg3A_182 = arith.constant 0.000000e+00 : f32
      %neg3A_183 = vector.broadcast %neg3A_182 : f32 to vector<16xf32>
      %neg3A_184 = arith.subf %neg3A_183, %mul3A_164 : vector<16xf32>
      %neg3A_185 = arith.constant 0.000000e+00 : f32
      %neg3A_186 = vector.broadcast %neg3A_185 : f32 to vector<16xf32>
      %neg3A_187 = arith.subf %neg3A_186, %add3A_145 : vector<16xf32>
      %select_n3A_188 = arith.select %eq3A_173, %neg3A_187, %mul3A_164 : vector<16xi1>, vector<16xf32>
      %select_n3A_189 = arith.select %eq3A_170, %neg3A_184, %select_n3A_188 : vector<16xi1>, vector<16xf32>
      %select_n3A_190 = arith.select %eq3A_167, %add3A_145, %select_n3A_189 : vector<16xi1>, vector<16xf32>
      %add3A_191 = arith.constant 6208 : i32
      %add3A_192 = vector.broadcast %add3A_191 : i32 to vector<16xi32>
      %add3A_193 = arith.addi %add3A_192, %shift_right_arithmetic3A_93 : vector<16xi32>
      %gather3A_194 = tpu.vector_load_idx %arg20[%add3A_193] : memref<22624xi32, #tpu.memory_space<vmem>>[vector<16xi32>], vector<16xi32>,
      %lt3A = arith.cmpi slt, %and3A_95, %gather3A_194 : vector<16xi32>
      %jit3A_195 = arith.constant 1.000000e+00 : f32
      %jit3A_196 = arith.constant 0.000000e+00 : f32
      %broadcast_in_dim3A_197 = vector.broadcast %jit3A_195 : f32 to vector<16xf32>
      %broadcast_in_dim3A_198 = vector.broadcast %jit3A_196 : f32 to vector<16xf32>
      %select_n3A_199 = arith.select %lt3A, %broadcast_in_dim3A_197, %broadcast_in_dim3A_198 : vector<16xi1>, vector<16xf32>
      %mul3A_200 = arith.constant 2.000000e+00 : f32
      %mul3A_201 = vector.broadcast %mul3A_200 : f32 to vector<16xf32>
      %mul3A_202 = arith.mulf %select_n3A_107, %mul3A_201 : vector<16xf32>
      %mul3A_203 = arith.constant 3.14159274 : f32
      %mul3A_204 = vector.broadcast %mul3A_203 : f32 to vector<16xf32>
      %mul3A_205 = arith.mulf %select_n3A_113, %mul3A_204 : vector<16xf32>
      %mul3A_206 = arith.constant 8 : i32
      %mul3A_207 = vector.broadcast %mul3A_206 : i32 to vector<16xi32>
      %mul3A_208 = arith.muli %add3A_89, %mul3A_207 : vector<16xi32>
      %add3A_209 = arith.constant 0 : i32
      %add3A_210 = vector.broadcast %add3A_209 : i32 to vector<16xi32>
      %add3A_211 = arith.addi %mul3A_208, %add3A_210 : vector<16xi32>
      tpu.vector_store_idx %arg36[%add3A_211], %select_n3A_104 : memref<512xf32, #tpu.memory_space<vmem>>[vector<16xi32>], vector<16xf32>,
      %mul3A_212 = arith.constant 8 : i32
      %mul3A_213 = vector.broadcast %mul3A_212 : i32 to vector<16xi32>
      %mul3A_214 = arith.muli %add3A_89, %mul3A_213 : vector<16xi32>
      %add3A_215 = arith.constant 1 : i32
      %add3A_216 = vector.broadcast %add3A_215 : i32 to vector<16xi32>
      %add3A_217 = arith.addi %mul3A_214, %add3A_216 : vector<16xi32>
      tpu.vector_store_idx %arg36[%add3A_217], %mul3A_202 : memref<512xf32, #tpu.memory_space<vmem>>[vector<16xi32>], vector<16xf32>,
      %mul3A_218 = arith.constant 8 : i32
      %mul3A_219 = vector.broadcast %mul3A_218 : i32 to vector<16xi32>
      %mul3A_220 = arith.muli %add3A_89, %mul3A_219 : vector<16xi32>
      %add3A_221 = arith.constant 2 : i32
      %add3A_222 = vector.broadcast %add3A_221 : i32 to vector<16xi32>
      %add3A_223 = arith.addi %mul3A_220, %add3A_222 : vector<16xi32>
      tpu.vector_store_idx %arg36[%add3A_223], %select_n3A_110 : memref<512xf32, #tpu.memory_space<vmem>>[vector<16xi32>], vector<16xf32>,
      %mul3A_224 = arith.constant 8 : i32
      %mul3A_225 = vector.broadcast %mul3A_224 : i32 to vector<16xi32>
      %mul3A_226 = arith.muli %add3A_89, %mul3A_225 : vector<16xi32>
      %add3A_227 = arith.constant 3 : i32
      %add3A_228 = vector.broadcast %add3A_227 : i32 to vector<16xi32>
      %add3A_229 = arith.addi %mul3A_226, %add3A_228 : vector<16xi32>
      tpu.vector_store_idx %arg36[%add3A_229], %mul3A_205 : memref<512xf32, #tpu.memory_space<vmem>>[vector<16xi32>], vector<16xf32>,
      %mul3A_230 = arith.constant 8 : i32
      %mul3A_231 = vector.broadcast %mul3A_230 : i32 to vector<16xi32>
      %mul3A_232 = arith.muli %add3A_89, %mul3A_231 : vector<16xi32>
      %add3A_233 = arith.constant 4 : i32
      %add3A_234 = vector.broadcast %add3A_233 : i32 to vector<16xi32>
      %add3A_235 = arith.addi %mul3A_232, %add3A_234 : vector<16xi32>
      tpu.vector_store_idx %arg36[%add3A_235], %select_n3A_116 : memref<512xf32, #tpu.memory_space<vmem>>[vector<16xi32>], vector<16xf32>,
      %mul3A_236 = arith.constant 8 : i32
      %mul3A_237 = vector.broadcast %mul3A_236 : i32 to vector<16xi32>
      %mul3A_238 = arith.muli %add3A_89, %mul3A_237 : vector<16xi32>
      %add3A_239 = arith.constant 5 : i32
      %add3A_240 = vector.broadcast %add3A_239 : i32 to vector<16xi32>
      %add3A_241 = arith.addi %mul3A_238, %add3A_240 : vector<16xi32>
      tpu.vector_store_idx %arg36[%add3A_241], %select_n3A_181 : memref<512xf32, #tpu.memory_space<vmem>>[vector<16xi32>], vector<16xf32>,
      %mul3A_242 = arith.constant 8 : i32
      %mul3A_243 = vector.broadcast %mul3A_242 : i32 to vector<16xi32>
      %mul3A_244 = arith.muli %add3A_89, %mul3A_243 : vector<16xi32>
      %add3A_245 = arith.constant 6 : i32
      %add3A_246 = vector.broadcast %add3A_245 : i32 to vector<16xi32>
      %add3A_247 = arith.addi %mul3A_244, %add3A_246 : vector<16xi32>
      tpu.vector_store_idx %arg36[%add3A_247], %select_n3A_190 : memref<512xf32, #tpu.memory_space<vmem>>[vector<16xi32>], vector<16xf32>,
      %mul3A_248 = arith.constant 8 : i32
      %mul3A_249 = vector.broadcast %mul3A_248 : i32 to vector<16xi32>
      %mul3A_250 = arith.muli %add3A_89, %mul3A_249 : vector<16xi32>
      %add3A_251 = arith.constant 7 : i32
      %add3A_252 = vector.broadcast %add3A_251 : i32 to vector<16xi32>
      %add3A_253 = arith.addi %mul3A_250, %add3A_252 : vector<16xi32>
      tpu.vector_store_idx %arg36[%add3A_253], %select_n3A_199 : memref<512xf32, #tpu.memory_space<vmem>>[vector<16xi32>], vector<16xf32>,
    }
    %scan3A_59 = arith.constant 4 : i32
    %mul3A_60 = arith.constant 512 : i32
    %mul3A_61 = arith.muli %arg1, %mul3A_60 : i32
    "tpu.region"() ({
      %run_scoped3A = tpu.sem_alloc : memref<!tpu.dma_semaphore, #tpu.memory_space<semaphore_mem>>
      %dma_start3A_85 = tpu.memref_slice %arg37[%mul3A_61] : memref<8192xf32, #tpu.memory_space<vmem_shared>> -> memref<512xf32, #tpu.memory_space<vmem_shared>>
      %dma_start3A_86 = tpu.memref_slice %arg37[%mul3A_61] : memref<8192xf32, #tpu.memory_space<vmem_shared>> -> memref<512xf32, #tpu.memory_space<vmem_shared>>
      tpu.enqueue_dma source(%arg36 : memref<512xf32, #tpu.memory_space<vmem>>) target(%dma_start3A_86 : memref<512xf32, #tpu.memory_space<vmem_shared>>) target_semaphore(%run_scoped3A : memref<!tpu.dma_semaphore, #tpu.memory_space<semaphore_mem>>)
      %dma_wait3A_87 = tpu.memref_slice %arg37[%mul3A_61] : memref<8192xf32, #tpu.memory_space<vmem_shared>> -> memref<512xf32, #tpu.memory_space<vmem_shared>>
      %dma_wait3A_88 = tpu.memref_slice %arg37[%mul3A_61] : memref<8192xf32, #tpu.memory_space<vmem_shared>> -> memref<512xf32, #tpu.memory_space<vmem_shared>>
      tpu.wait_dma2 semaphore(%run_scoped3A : memref<!tpu.dma_semaphore, #tpu.memory_space<semaphore_mem>>) src(%arg36 : memref<512xf32, #tpu.memory_space<vmem>>) dst(%dma_wait3A_88 : memref<512xf32, #tpu.memory_space<vmem_shared>>)
      tpu.yield
    }) : () -> ()
    %barrier3A = arith.constant 0 : index
    tpu.barrier barrier_id(%barrier3A)
    "tpu.region"() ({
      %run_scoped3A = tpu.sem_alloc : memref<!tpu.dma_semaphore, #tpu.memory_space<semaphore_mem>>
      tpu.enqueue_dma source(%arg37 : memref<8192xf32, #tpu.memory_space<vmem_shared>>) target(%arg38 : memref<8192xf32, #tpu.memory_space<vmem>>) target_semaphore(%run_scoped3A : memref<!tpu.dma_semaphore, #tpu.memory_space<semaphore_mem>>)
      tpu.wait_dma2 semaphore(%run_scoped3A : memref<!tpu.dma_semaphore, #tpu.memory_space<semaphore_mem>>) src(%arg37 : memref<8192xf32, #tpu.memory_space<vmem_shared>>) dst(%arg38 : memref<8192xf32, #tpu.memory_space<vmem>>)
      tpu.yield
    }) : () -> ()
    %broadcast_in_dim3A = arith.constant 0.000000e+00 : f32
    %broadcast_in_dim3A_62 = vector.broadcast %broadcast_in_dim3A : f32 to vector<16xf32>
    %scan3A_63 = arith.constant 9.99999997E-7 : f32
    %scan3A_64 = arith.constant 0 : i32
    %scan3A_65 = arith.constant 512 : i32
    %scan3A_66 = arith.addi %scan3A_64, %scan3A_65 : i32
    %scan3A_67 = arith.constant 1 : i32
    %scan3A_68 = scf.for %scan3A_85 = %scan3A_64 to %scan3A_66 step %scan3A_67 iter_args(%scan3A_86 = %broadcast_in_dim3A_62) -> (vector<16xf32>)  : i32 {
      %shift_right_arithmetic3A = arith.constant 1 : i32
      %shift_right_arithmetic3A_87 = arith.shrsi %scan3A_85, %shift_right_arithmetic3A : i32
      %and3A = arith.constant 1 : i32
      %and3A_88 = arith.andi %scan3A_85, %and3A : i32
      %mul3A_89 = arith.constant 16 : i32
      %mul3A_90 = arith.muli %and3A_88, %mul3A_89 : i32
      %broadcast_in_dim3A_91 = vector.broadcast %shift_right_arithmetic3A_87 : i32 to vector<16xi32>
      %gather3A = tpu.vector_load_idx %arg18[%broadcast_in_dim3A_91] : memref<256xi32, #tpu.memory_space<vmem>>[vector<16xi32>], vector<16xi32>,
      %mul3A_92 = arith.constant 32 : i32
      %mul3A_93 = vector.broadcast %mul3A_92 : i32 to vector<16xi32>
      %mul3A_94 = arith.muli %broadcast_in_dim3A_91, %mul3A_93 : vector<16xi32>
      %mul3A_95 = arith.constant 32 : i32
      %mul3A_96 = vector.broadcast %mul3A_95 : i32 to vector<16xi32>
      %mul3A_97 = arith.muli %gather3A, %mul3A_96 : vector<16xi32>
      %add3A_98 = vector.broadcast %mul3A_90 : i32 to vector<16xi32>
      %add3A_99 = arith.addi %mul3A_97, %add3A_98 : vector<16xi32>
      %add3A_100 = arith.addi %add3A_99, %iota3A : vector<16xi32>
      %add3A_101 = arith.constant 0 : i32
      %add3A_102 = vector.broadcast %add3A_101 : i32 to vector<16xi32>
      %add3A_103 = arith.addi %add3A_102, %add3A_100 : vector<16xi32>
      %gather3A_104 = tpu.vector_load_idx %arg20[%add3A_103] : memref<22624xi32, #tpu.memory_space<vmem>>[vector<16xi32>], vector<16xi32>,
      %add3A_105 = arith.addi %mul3A_94, %gather3A_104 : vector<16xi32>
      %gather3A_106 = tpu.vector_load_idx %arg15[%add3A_105] : memref<8192xf32, #tpu.memory_space<vmem>>[vector<16xi32>], vector<16xf32>,
      %gather3A_107 = tpu.vector_load_idx %arg16[%add3A_105] : memref<8192xf32, #tpu.memory_space<vmem>>[vector<16xi32>], vector<16xf32>,
      %gather3A_108 = tpu.vector_load_idx %arg17[%add3A_105] : memref<8192xf32, #tpu.memory_space<vmem>>[vector<16xi32>], vector<16xf32>,
      %add3A_109 = arith.constant 1024 : i32
      %add3A_110 = vector.broadcast %add3A_109 : i32 to vector<16xi32>
      %add3A_111 = arith.addi %add3A_110, %add3A_100 : vector<16xi32>
      %gather3A_112 = tpu.vector_load_idx %arg20[%add3A_111] : memref<22624xi32, #tpu.memory_space<vmem>>[vector<16xi32>], vector<16xi32>,
      %add3A_113 = arith.addi %mul3A_94, %gather3A_112 : vector<16xi32>
      %gather3A_114 = tpu.vector_load_idx %arg15[%add3A_113] : memref<8192xf32, #tpu.memory_space<vmem>>[vector<16xi32>], vector<16xf32>,
      %gather3A_115 = tpu.vector_load_idx %arg16[%add3A_113] : memref<8192xf32, #tpu.memory_space<vmem>>[vector<16xi32>], vector<16xf32>,
      %gather3A_116 = tpu.vector_load_idx %arg17[%add3A_113] : memref<8192xf32, #tpu.memory_space<vmem>>[vector<16xi32>], vector<16xf32>,
      %add3A_117 = arith.constant 2048 : i32
      %add3A_118 = vector.broadcast %add3A_117 : i32 to vector<16xi32>
      %add3A_119 = arith.addi %add3A_118, %add3A_100 : vector<16xi32>
      %gather3A_120 = tpu.vector_load_idx %arg20[%add3A_119] : memref<22624xi32, #tpu.memory_space<vmem>>[vector<16xi32>], vector<16xi32>,
      %add3A_121 = arith.addi %mul3A_94, %gather3A_120 : vector<16xi32>
      %gather3A_122 = tpu.vector_load_idx %arg15[%add3A_121] : memref<8192xf32, #tpu.memory_space<vmem>>[vector<16xi32>], vector<16xf32>,
      %gather3A_123 = tpu.vector_load_idx %arg16[%add3A_121] : memref<8192xf32, #tpu.memory_space<vmem>>[vector<16xi32>], vector<16xf32>,
      %gather3A_124 = tpu.vector_load_idx %arg17[%add3A_121] : memref<8192xf32, #tpu.memory_space<vmem>>[vector<16xi32>], vector<16xf32>,
      %add3A_125 = arith.constant 3072 : i32
      %add3A_126 = vector.broadcast %add3A_125 : i32 to vector<16xi32>
      %add3A_127 = arith.addi %add3A_126, %add3A_100 : vector<16xi32>
      %gather3A_128 = tpu.vector_load_idx %arg20[%add3A_127] : memref<22624xi32, #tpu.memory_space<vmem>>[vector<16xi32>], vector<16xi32>,
      %add3A_129 = arith.addi %mul3A_94, %gather3A_128 : vector<16xi32>
      %gather3A_130 = tpu.vector_load_idx %arg15[%add3A_129] : memref<8192xf32, #tpu.memory_space<vmem>>[vector<16xi32>], vector<16xf32>,
      %gather3A_131 = tpu.vector_load_idx %arg16[%add3A_129] : memref<8192xf32, #tpu.memory_space<vmem>>[vector<16xi32>], vector<16xf32>,
      %gather3A_132 = tpu.vector_load_idx %arg17[%add3A_129] : memref<8192xf32, #tpu.memory_space<vmem>>[vector<16xi32>], vector<16xf32>,
      %mul3A_133 = arith.constant 8 : i32
      %mul3A_134 = vector.broadcast %mul3A_133 : i32 to vector<16xi32>
      %mul3A_135 = arith.muli %add3A_100, %mul3A_134 : vector<16xi32>
      %add3A_136 = arith.constant 0 : i32
      %add3A_137 = vector.broadcast %add3A_136 : i32 to vector<16xi32>
      %add3A_138 = arith.addi %mul3A_135, %add3A_137 : vector<16xi32>
      %gather3A_139 = tpu.vector_load_idx %arg38[%add3A_138] : memref<8192xf32, #tpu.memory_space<vmem>>[vector<16xi32>], vector<16xf32>,
      %mul3A_140 = arith.constant 8 : i32
      %mul3A_141 = vector.broadcast %mul3A_140 : i32 to vector<16xi32>
      %mul3A_142 = arith.muli %add3A_100, %mul3A_141 : vector<16xi32>
      %add3A_143 = arith.constant 1 : i32
      %add3A_144 = vector.broadcast %add3A_143 : i32 to vector<16xi32>
      %add3A_145 = arith.addi %mul3A_142, %add3A_144 : vector<16xi32>
      %gather3A_146 = tpu.vector_load_idx %arg38[%add3A_145] : memref<8192xf32, #tpu.memory_space<vmem>>[vector<16xi32>], vector<16xf32>,
      %mul3A_147 = arith.constant 8 : i32
      %mul3A_148 = vector.broadcast %mul3A_147 : i32 to vector<16xi32>
      %mul3A_149 = arith.muli %add3A_100, %mul3A_148 : vector<16xi32>
      %add3A_150 = arith.constant 2 : i32
      %add3A_151 = vector.broadcast %add3A_150 : i32 to vector<16xi32>
      %add3A_152 = arith.addi %mul3A_149, %add3A_151 : vector<16xi32>
      %gather3A_153 = tpu.vector_load_idx %arg38[%add3A_152] : memref<8192xf32, #tpu.memory_space<vmem>>[vector<16xi32>], vector<16xf32>,
      %mul3A_154 = arith.constant 8 : i32
      %mul3A_155 = vector.broadcast %mul3A_154 : i32 to vector<16xi32>
      %mul3A_156 = arith.muli %add3A_100, %mul3A_155 : vector<16xi32>
      %add3A_157 = arith.constant 3 : i32
      %add3A_158 = vector.broadcast %add3A_157 : i32 to vector<16xi32>
      %add3A_159 = arith.addi %mul3A_156, %add3A_158 : vector<16xi32>
      %gather3A_160 = tpu.vector_load_idx %arg38[%add3A_159] : memref<8192xf32, #tpu.memory_space<vmem>>[vector<16xi32>], vector<16xf32>,
      %mul3A_161 = arith.constant 8 : i32
      %mul3A_162 = vector.broadcast %mul3A_161 : i32 to vector<16xi32>
      %mul3A_163 = arith.muli %add3A_100, %mul3A_162 : vector<16xi32>
      %add3A_164 = arith.constant 4 : i32
      %add3A_165 = vector.broadcast %add3A_164 : i32 to vector<16xi32>
      %add3A_166 = arith.addi %mul3A_163, %add3A_165 : vector<16xi32>
      %gather3A_167 = tpu.vector_load_idx %arg38[%add3A_166] : memref<8192xf32, #tpu.memory_space<vmem>>[vector<16xi32>], vector<16xf32>,
      %mul3A_168 = arith.constant 8 : i32
      %mul3A_169 = vector.broadcast %mul3A_168 : i32 to vector<16xi32>
      %mul3A_170 = arith.muli %add3A_100, %mul3A_169 : vector<16xi32>
      %add3A_171 = arith.constant 5 : i32
      %add3A_172 = vector.broadcast %add3A_171 : i32 to vector<16xi32>
      %add3A_173 = arith.addi %mul3A_170, %add3A_172 : vector<16xi32>
      %gather3A_174 = tpu.vector_load_idx %arg38[%add3A_173] : memref<8192xf32, #tpu.memory_space<vmem>>[vector<16xi32>], vector<16xf32>,
      %mul3A_175 = arith.constant 8 : i32
      %mul3A_176 = vector.broadcast %mul3A_175 : i32 to vector<16xi32>
      %mul3A_177 = arith.muli %add3A_100, %mul3A_176 : vector<16xi32>
      %add3A_178 = arith.constant 6 : i32
      %add3A_179 = vector.broadcast %add3A_178 : i32 to vector<16xi32>
      %add3A_180 = arith.addi %mul3A_177, %add3A_179 : vector<16xi32>
      %gather3A_181 = tpu.vector_load_idx %arg38[%add3A_180] : memref<8192xf32, #tpu.memory_space<vmem>>[vector<16xi32>], vector<16xf32>,
      %mul3A_182 = arith.constant 8 : i32
      %mul3A_183 = vector.broadcast %mul3A_182 : i32 to vector<16xi32>
      %mul3A_184 = arith.muli %add3A_100, %mul3A_183 : vector<16xi32>
      %add3A_185 = arith.constant 7 : i32
      %add3A_186 = vector.broadcast %add3A_185 : i32 to vector<16xi32>
      %add3A_187 = arith.addi %mul3A_184, %add3A_186 : vector<16xi32>
      %gather3A_188 = tpu.vector_load_idx %arg38[%add3A_187] : memref<8192xf32, #tpu.memory_space<vmem>>[vector<16xi32>], vector<16xf32>,
      %sub3A = arith.subf %gather3A_114, %gather3A_106 : vector<16xf32>
      %sub3A_189 = arith.subf %gather3A_115, %gather3A_107 : vector<16xf32>
      %sub3A_190 = arith.subf %gather3A_116, %gather3A_108 : vector<16xf32>
      %mul3A_191 = arith.mulf %sub3A, %sub3A : vector<16xf32>
      %mul3A_192 = arith.mulf %sub3A_189, %sub3A_189 : vector<16xf32>
      %add3A_193 = arith.addf %mul3A_191, %mul3A_192 : vector<16xf32>
      %mul3A_194 = arith.mulf %sub3A_190, %sub3A_190 : vector<16xf32>
      %add3A_195 = arith.addf %add3A_193, %mul3A_194 : vector<16xf32>
      %add3A_196 = vector.broadcast %scan3A_63 : f32 to vector<16xf32>
      %add3A_197 = arith.addf %add3A_195, %add3A_196 : vector<16xf32>
      %bitcast_convert_type3A = tpu.bitcast %add3A_197 : vector<16xf32> -> vector<16xi32>
      %shift_right_arithmetic3A_198 = arith.constant 1 : i32
      %shift_right_arithmetic3A_199 = vector.broadcast %shift_right_arithmetic3A_198 : i32 to vector<16xi32>
      %shift_right_arithmetic3A_200 = arith.shrsi %bitcast_convert_type3A, %shift_right_arithmetic3A_199 : vector<16xi32>
      %sub3A_201 = arith.constant 1597463007 : i32
      %sub3A_202 = vector.broadcast %sub3A_201 : i32 to vector<16xi32>
      %sub3A_203 = arith.subi %sub3A_202, %shift_right_arithmetic3A_200 : vector<16xi32>
      %bitcast_convert_type3A_204 = tpu.bitcast %sub3A_203 : vector<16xi32> -> vector<16xf32>
      %mul3A_205 = arith.constant 5.000000e-01 : f32
      %mul3A_206 = vector.broadcast %mul3A_205 : f32 to vector<16xf32>
      %mul3A_207 = arith.mulf %mul3A_206, %add3A_197 : vector<16xf32>
      %mul3A_208 = arith.mulf %mul3A_207, %bitcast_convert_type3A_204 : vector<16xf32>
      %mul3A_209 = arith.mulf %mul3A_208, %bitcast_convert_type3A_204 : vector<16xf32>
      %sub3A_210 = arith.constant 1.500000e+00 : f32
      %sub3A_211 = vector.broadcast %sub3A_210 : f32 to vector<16xf32>
      %sub3A_212 = arith.subf %sub3A_211, %mul3A_209 : vector<16xf32>
      %mul3A_213 = arith.mulf %bitcast_convert_type3A_204, %sub3A_212 : vector<16xf32>
      %mul3A_214 = arith.mulf %mul3A_207, %mul3A_213 : vector<16xf32>
      %mul3A_215 = arith.mulf %mul3A_214, %mul3A_213 : vector<16xf32>
      %sub3A_216 = arith.constant 1.500000e+00 : f32
      %sub3A_217 = vector.broadcast %sub3A_216 : f32 to vector<16xf32>
      %sub3A_218 = arith.subf %sub3A_217, %mul3A_215 : vector<16xf32>
      %mul3A_219 = arith.mulf %mul3A_213, %sub3A_218 : vector<16xf32>
      %mul3A_220 = arith.mulf %add3A_197, %mul3A_219 : vector<16xf32>
      %sub3A_221 = arith.subf %gather3A_106, %gather3A_114 : vector<16xf32>
      %sub3A_222 = arith.subf %gather3A_107, %gather3A_115 : vector<16xf32>
      %sub3A_223 = arith.subf %gather3A_108, %gather3A_116 : vector<16xf32>
      %sub3A_224 = arith.subf %gather3A_122, %gather3A_114 : vector<16xf32>
      %sub3A_225 = arith.subf %gather3A_123, %gather3A_115 : vector<16xf32>
      %sub3A_226 = arith.subf %gather3A_124, %gather3A_116 : vector<16xf32>
      %mul3A_227 = arith.mulf %sub3A_221, %sub3A_221 : vector<16xf32>
      %mul3A_228 = arith.mulf %sub3A_222, %sub3A_222 : vector<16xf32>
      %add3A_229 = arith.addf %mul3A_227, %mul3A_228 : vector<16xf32>
      %mul3A_230 = arith.mulf %sub3A_223, %sub3A_223 : vector<16xf32>
      %add3A_231 = arith.addf %add3A_229, %mul3A_230 : vector<16xf32>
      %add3A_232 = vector.broadcast %scan3A_63 : f32 to vector<16xf32>
      %add3A_233 = arith.addf %add3A_231, %add3A_232 : vector<16xf32>
      %mul3A_234 = arith.mulf %sub3A_224, %sub3A_224 : vector<16xf32>
      %mul3A_235 = arith.mulf %sub3A_225, %sub3A_225 : vector<16xf32>
      %add3A_236 = arith.addf %mul3A_234, %mul3A_235 : vector<16xf32>
      %mul3A_237 = arith.mulf %sub3A_226, %sub3A_226 : vector<16xf32>
      %add3A_238 = arith.addf %add3A_236, %mul3A_237 : vector<16xf32>
      %add3A_239 = vector.broadcast %scan3A_63 : f32 to vector<16xf32>
      %add3A_240 = arith.addf %add3A_238, %add3A_239 : vector<16xf32>
      %mul3A_241 = arith.mulf %sub3A_221, %sub3A_224 : vector<16xf32>
      %mul3A_242 = arith.mulf %sub3A_222, %sub3A_225 : vector<16xf32>
      %add3A_243 = arith.addf %mul3A_241, %mul3A_242 : vector<16xf32>
      %mul3A_244 = arith.mulf %sub3A_223, %sub3A_226 : vector<16xf32>
      %add3A_245 = arith.addf %add3A_243, %mul3A_244 : vector<16xf32>
      %mul3A_246 = arith.mulf %add3A_233, %add3A_240 : vector<16xf32>
      %bitcast_convert_type3A_247 = tpu.bitcast %mul3A_246 : vector<16xf32> -> vector<16xi32>
      %shift_right_arithmetic3A_248 = arith.constant 1 : i32
      %shift_right_arithmetic3A_249 = vector.broadcast %shift_right_arithmetic3A_248 : i32 to vector<16xi32>
      %shift_right_arithmetic3A_250 = arith.shrsi %bitcast_convert_type3A_247, %shift_right_arithmetic3A_249 : vector<16xi32>
      %sub3A_251 = arith.constant 1597463007 : i32
      %sub3A_252 = vector.broadcast %sub3A_251 : i32 to vector<16xi32>
      %sub3A_253 = arith.subi %sub3A_252, %shift_right_arithmetic3A_250 : vector<16xi32>
      %bitcast_convert_type3A_254 = tpu.bitcast %sub3A_253 : vector<16xi32> -> vector<16xf32>
      %mul3A_255 = arith.constant 5.000000e-01 : f32
      %mul3A_256 = vector.broadcast %mul3A_255 : f32 to vector<16xf32>
      %mul3A_257 = arith.mulf %mul3A_256, %mul3A_246 : vector<16xf32>
      %mul3A_258 = arith.mulf %mul3A_257, %bitcast_convert_type3A_254 : vector<16xf32>
      %mul3A_259 = arith.mulf %mul3A_258, %bitcast_convert_type3A_254 : vector<16xf32>
      %sub3A_260 = arith.constant 1.500000e+00 : f32
      %sub3A_261 = vector.broadcast %sub3A_260 : f32 to vector<16xf32>
      %sub3A_262 = arith.subf %sub3A_261, %mul3A_259 : vector<16xf32>
      %mul3A_263 = arith.mulf %bitcast_convert_type3A_254, %sub3A_262 : vector<16xf32>
      %mul3A_264 = arith.mulf %mul3A_257, %mul3A_263 : vector<16xf32>
      %mul3A_265 = arith.mulf %mul3A_264, %mul3A_263 : vector<16xf32>
      %sub3A_266 = arith.constant 1.500000e+00 : f32
      %sub3A_267 = vector.broadcast %sub3A_266 : f32 to vector<16xf32>
      %sub3A_268 = arith.subf %sub3A_267, %mul3A_265 : vector<16xf32>
      %mul3A_269 = arith.mulf %mul3A_263, %sub3A_268 : vector<16xf32>
      %mul3A_270 = arith.mulf %add3A_245, %mul3A_269 : vector<16xf32>
      %jit3A_271 = arith.constant -0.999998986 : f32
      %jit3A_272 = arith.constant 0.999998986 : f32
      %max3A = vector.broadcast %jit3A_271 : f32 to vector<16xf32>
      %max3A_273 = arith.maximumf %max3A, %mul3A_270 : vector<16xf32>
      %min3A = vector.broadcast %jit3A_272 : f32 to vector<16xf32>
      %min3A_274 = arith.minimumf %min3A, %max3A_273 : vector<16xf32>
      %abs3A = math.absf %min3A_274 : vector<16xf32>
      %broadcast_in_dim3A_275 = arith.constant -0.0012624911 : f32
      %broadcast_in_dim3A_276 = vector.broadcast %broadcast_in_dim3A_275 : f32 to vector<16xf32>
      %mul3A_277 = arith.mulf %broadcast_in_dim3A_276, %abs3A : vector<16xf32>
      %add3A_278 = arith.constant 6.670090e-03 : f32
      %add3A_279 = vector.broadcast %add3A_278 : f32 to vector<16xf32>
      %add3A_280 = arith.addf %mul3A_277, %add3A_279 : vector<16xf32>
      %mul3A_281 = arith.mulf %add3A_280, %abs3A : vector<16xf32>
      %add3A_282 = arith.constant -0.0170881264 : f32
      %add3A_283 = vector.broadcast %add3A_282 : f32 to vector<16xf32>
      %add3A_284 = arith.addf %mul3A_281, %add3A_283 : vector<16xf32>
      %mul3A_285 = arith.mulf %add3A_284, %abs3A : vector<16xf32>
      %add3A_286 = arith.constant 0.0308918804 : f32
      %add3A_287 = vector.broadcast %add3A_286 : f32 to vector<16xf32>
      %add3A_288 = arith.addf %mul3A_285, %add3A_287 : vector<16xf32>
      %mul3A_289 = arith.mulf %add3A_288, %abs3A : vector<16xf32>
      %add3A_290 = arith.constant -0.0501743034 : f32
      %add3A_291 = vector.broadcast %add3A_290 : f32 to vector<16xf32>
      %add3A_292 = arith.addf %mul3A_289, %add3A_291 : vector<16xf32>
      %mul3A_293 = arith.mulf %add3A_292, %abs3A : vector<16xf32>
      %add3A_294 = arith.constant 0.0889789909 : f32
      %add3A_295 = vector.broadcast %add3A_294 : f32 to vector<16xf32>
      %add3A_296 = arith.addf %mul3A_293, %add3A_295 : vector<16xf32>
      %mul3A_297 = arith.mulf %add3A_296, %abs3A : vector<16xf32>
      %add3A_298 = arith.constant -0.214598805 : f32
      %add3A_299 = vector.broadcast %add3A_298 : f32 to vector<16xf32>
      %add3A_300 = arith.addf %mul3A_297, %add3A_299 : vector<16xf32>
      %mul3A_301 = arith.mulf %add3A_300, %abs3A : vector<16xf32>
      %add3A_302 = arith.constant 1.57079625 : f32
      %add3A_303 = vector.broadcast %add3A_302 : f32 to vector<16xf32>
      %add3A_304 = arith.addf %mul3A_301, %add3A_303 : vector<16xf32>
      %sub3A_305 = arith.constant 1.000000e+00 : f32
      %sub3A_306 = vector.broadcast %sub3A_305 : f32 to vector<16xf32>
      %sub3A_307 = arith.subf %sub3A_306, %abs3A : vector<16xf32>
      %bitcast_convert_type3A_308 = tpu.bitcast %sub3A_307 : vector<16xf32> -> vector<16xi32>
      %shift_right_arithmetic3A_309 = arith.constant 1 : i32
      %shift_right_arithmetic3A_310 = vector.broadcast %shift_right_arithmetic3A_309 : i32 to vector<16xi32>
      %shift_right_arithmetic3A_311 = arith.shrsi %bitcast_convert_type3A_308, %shift_right_arithmetic3A_310 : vector<16xi32>
      %sub3A_312 = arith.constant 1597463007 : i32
      %sub3A_313 = vector.broadcast %sub3A_312 : i32 to vector<16xi32>
      %sub3A_314 = arith.subi %sub3A_313, %shift_right_arithmetic3A_311 : vector<16xi32>
      %bitcast_convert_type3A_315 = tpu.bitcast %sub3A_314 : vector<16xi32> -> vector<16xf32>
      %mul3A_316 = arith.constant 5.000000e-01 : f32
      %mul3A_317 = vector.broadcast %mul3A_316 : f32 to vector<16xf32>
      %mul3A_318 = arith.mulf %mul3A_317, %sub3A_307 : vector<16xf32>
      %mul3A_319 = arith.mulf %mul3A_318, %bitcast_convert_type3A_315 : vector<16xf32>
      %mul3A_320 = arith.mulf %mul3A_319, %bitcast_convert_type3A_315 : vector<16xf32>
      %sub3A_321 = arith.constant 1.500000e+00 : f32
      %sub3A_322 = vector.broadcast %sub3A_321 : f32 to vector<16xf32>
      %sub3A_323 = arith.subf %sub3A_322, %mul3A_320 : vector<16xf32>
      %mul3A_324 = arith.mulf %bitcast_convert_type3A_315, %sub3A_323 : vector<16xf32>
      %mul3A_325 = arith.mulf %mul3A_318, %mul3A_324 : vector<16xf32>
      %mul3A_326 = arith.mulf %mul3A_325, %mul3A_324 : vector<16xf32>
      %sub3A_327 = arith.constant 1.500000e+00 : f32
      %sub3A_328 = vector.broadcast %sub3A_327 : f32 to vector<16xf32>
      %sub3A_329 = arith.subf %sub3A_328, %mul3A_326 : vector<16xf32>
      %mul3A_330 = arith.mulf %mul3A_324, %sub3A_329 : vector<16xf32>
      %mul3A_331 = arith.mulf %sub3A_307, %mul3A_330 : vector<16xf32>
      %mul3A_332 = arith.mulf %mul3A_331, %add3A_304 : vector<16xf32>
      %ge3A = arith.constant 0.000000e+00 : f32
      %ge3A_333 = vector.broadcast %ge3A : f32 to vector<16xf32>
      %ge3A_334 = arith.cmpf oge, %min3A_274, %ge3A_333 : vector<16xf32>
      %sub3A_335 = arith.constant 3.14159274 : f32
      %sub3A_336 = vector.broadcast %sub3A_335 : f32 to vector<16xf32>
      %sub3A_337 = arith.subf %sub3A_336, %mul3A_332 : vector<16xf32>
      %select_n3A_338 = arith.select %ge3A_334, %mul3A_332, %sub3A_337 : vector<16xi1>, vector<16xf32>
      %sub3A_339 = arith.subf %gather3A_130, %gather3A_122 : vector<16xf32>
      %sub3A_340 = arith.subf %gather3A_131, %gather3A_123 : vector<16xf32>
      %sub3A_341 = arith.subf %gather3A_132, %gather3A_124 : vector<16xf32>
      %mul3A_342 = arith.mulf %sub3A_189, %sub3A_226 : vector<16xf32>
      %mul3A_343 = arith.mulf %sub3A_190, %sub3A_225 : vector<16xf32>
      %sub3A_344 = arith.subf %mul3A_342, %mul3A_343 : vector<16xf32>
      %mul3A_345 = arith.mulf %sub3A_190, %sub3A_224 : vector<16xf32>
      %mul3A_346 = arith.mulf %sub3A, %sub3A_226 : vector<16xf32>
      %sub3A_347 = arith.subf %mul3A_345, %mul3A_346 : vector<16xf32>
      %mul3A_348 = arith.mulf %sub3A, %sub3A_225 : vector<16xf32>
      %mul3A_349 = arith.mulf %sub3A_189, %sub3A_224 : vector<16xf32>
      %sub3A_350 = arith.subf %mul3A_348, %mul3A_349 : vector<16xf32>
      %mul3A_351 = arith.mulf %sub3A_225, %sub3A_341 : vector<16xf32>
      %mul3A_352 = arith.mulf %sub3A_226, %sub3A_340 : vector<16xf32>
      %sub3A_353 = arith.subf %mul3A_351, %mul3A_352 : vector<16xf32>
      %mul3A_354 = arith.mulf %sub3A_226, %sub3A_339 : vector<16xf32>
      %mul3A_355 = arith.mulf %sub3A_224, %sub3A_341 : vector<16xf32>
      %sub3A_356 = arith.subf %mul3A_354, %mul3A_355 : vector<16xf32>
      %mul3A_357 = arith.mulf %sub3A_224, %sub3A_340 : vector<16xf32>
      %mul3A_358 = arith.mulf %sub3A_225, %sub3A_339 : vector<16xf32>
      %sub3A_359 = arith.subf %mul3A_357, %mul3A_358 : vector<16xf32>
      %mul3A_360 = arith.mulf %sub3A_224, %sub3A_224 : vector<16xf32>
      %mul3A_361 = arith.mulf %sub3A_225, %sub3A_225 : vector<16xf32>
      %add3A_362 = arith.addf %mul3A_360, %mul3A_361 : vector<16xf32>
      %mul3A_363 = arith.mulf %sub3A_226, %sub3A_226 : vector<16xf32>
      %add3A_364 = arith.addf %add3A_362, %mul3A_363 : vector<16xf32>
      %bitcast_convert_type3A_365 = tpu.bitcast %add3A_364 : vector<16xf32> -> vector<16xi32>
      %shift_right_arithmetic3A_366 = arith.constant 1 : i32
      %shift_right_arithmetic3A_367 = vector.broadcast %shift_right_arithmetic3A_366 : i32 to vector<16xi32>
      %shift_right_arithmetic3A_368 = arith.shrsi %bitcast_convert_type3A_365, %shift_right_arithmetic3A_367 : vector<16xi32>
      %sub3A_369 = arith.constant 1597463007 : i32
      %sub3A_370 = vector.broadcast %sub3A_369 : i32 to vector<16xi32>
      %sub3A_371 = arith.subi %sub3A_370, %shift_right_arithmetic3A_368 : vector<16xi32>
      %bitcast_convert_type3A_372 = tpu.bitcast %sub3A_371 : vector<16xi32> -> vector<16xf32>
      %mul3A_373 = arith.constant 5.000000e-01 : f32
      %mul3A_374 = vector.broadcast %mul3A_373 : f32 to vector<16xf32>
      %mul3A_375 = arith.mulf %mul3A_374, %add3A_364 : vector<16xf32>
      %mul3A_376 = arith.mulf %mul3A_375, %bitcast_convert_type3A_372 : vector<16xf32>
      %mul3A_377 = arith.mulf %mul3A_376, %bitcast_convert_type3A_372 : vector<16xf32>
      %sub3A_378 = arith.constant 1.500000e+00 : f32
      %sub3A_379 = vector.broadcast %sub3A_378 : f32 to vector<16xf32>
      %sub3A_380 = arith.subf %sub3A_379, %mul3A_377 : vector<16xf32>
      %mul3A_381 = arith.mulf %bitcast_convert_type3A_372, %sub3A_380 : vector<16xf32>
      %mul3A_382 = arith.mulf %mul3A_375, %mul3A_381 : vector<16xf32>
      %mul3A_383 = arith.mulf %mul3A_382, %mul3A_381 : vector<16xf32>
      %sub3A_384 = arith.constant 1.500000e+00 : f32
      %sub3A_385 = vector.broadcast %sub3A_384 : f32 to vector<16xf32>
      %sub3A_386 = arith.subf %sub3A_385, %mul3A_383 : vector<16xf32>
      %mul3A_387 = arith.mulf %mul3A_381, %sub3A_386 : vector<16xf32>
      %mul3A_388 = arith.mulf %add3A_364, %mul3A_387 : vector<16xf32>
      %add3A_389 = vector.broadcast %scan3A_63 : f32 to vector<16xf32>
      %add3A_390 = arith.addf %mul3A_388, %add3A_389 : vector<16xf32>
      %div3A = arith.constant 1.000000e+00 : f32
      %div3A_391 = vector.broadcast %div3A : f32 to vector<16xf32>
      %div3A_392 = arith.divf %div3A_391, %add3A_390 : vector<16xf32>
      %mul3A_393 = arith.mulf %sub3A_224, %div3A_392 : vector<16xf32>
      %mul3A_394 = arith.mulf %sub3A_225, %div3A_392 : vector<16xf32>
      %mul3A_395 = arith.mulf %sub3A_226, %div3A_392 : vector<16xf32>
      %mul3A_396 = arith.mulf %sub3A_347, %mul3A_395 : vector<16xf32>
      %mul3A_397 = arith.mulf %sub3A_350, %mul3A_394 : vector<16xf32>
      %sub3A_398 = arith.subf %mul3A_396, %mul3A_397 : vector<16xf32>
      %mul3A_399 = arith.mulf %sub3A_350, %mul3A_393 : vector<16xf32>
      %mul3A_400 = arith.mulf %sub3A_344, %mul3A_395 : vector<16xf32>
      %sub3A_401 = arith.subf %mul3A_399, %mul3A_400 : vector<16xf32>
      %mul3A_402 = arith.mulf %sub3A_344, %mul3A_394 : vector<16xf32>
      %mul3A_403 = arith.mulf %sub3A_347, %mul3A_393 : vector<16xf32>
      %sub3A_404 = arith.subf %mul3A_402, %mul3A_403 : vector<16xf32>
      %mul3A_405 = arith.mulf %sub3A_398, %sub3A_353 : vector<16xf32>
      %mul3A_406 = arith.mulf %sub3A_401, %sub3A_356 : vector<16xf32>
      %add3A_407 = arith.addf %mul3A_405, %mul3A_406 : vector<16xf32>
      %mul3A_408 = arith.mulf %sub3A_404, %sub3A_359 : vector<16xf32>
      %add3A_409 = arith.addf %add3A_407, %mul3A_408 : vector<16xf32>
      %mul3A_410 = arith.mulf %sub3A_344, %sub3A_353 : vector<16xf32>
      %mul3A_411 = arith.mulf %sub3A_347, %sub3A_356 : vector<16xf32>
      %add3A_412 = arith.addf %mul3A_410, %mul3A_411 : vector<16xf32>
      %mul3A_413 = arith.mulf %sub3A_350, %sub3A_359 : vector<16xf32>
      %add3A_414 = arith.addf %add3A_412, %mul3A_413 : vector<16xf32>
      %add3A_415 = vector.broadcast %scan3A_63 : f32 to vector<16xf32>
      %add3A_416 = arith.addf %add3A_414, %add3A_415 : vector<16xf32>
      %mul3A_417 = arith.mulf %add3A_416, %add3A_416 : vector<16xf32>
      %mul3A_418 = arith.mulf %add3A_409, %add3A_409 : vector<16xf32>
      %add3A_419 = arith.addf %mul3A_417, %mul3A_418 : vector<16xf32>
      %add3A_420 = arith.constant 1.000000e-30 : f32
      %add3A_421 = vector.broadcast %add3A_420 : f32 to vector<16xf32>
      %add3A_422 = arith.addf %add3A_419, %add3A_421 : vector<16xf32>
      %mul3A_423 = arith.mulf %add3A_416, %add3A_416 : vector<16xf32>
      %mul3A_424 = arith.mulf %add3A_409, %add3A_409 : vector<16xf32>
      %sub3A_425 = arith.subf %mul3A_423, %mul3A_424 : vector<16xf32>
      %div3A_426 = arith.divf %sub3A_425, %add3A_422 : vector<16xf32>
      %mul3A_427 = arith.constant 2.000000e+00 : f32
      %mul3A_428 = vector.broadcast %mul3A_427 : f32 to vector<16xf32>
      %mul3A_429 = arith.mulf %mul3A_428, %add3A_416 : vector<16xf32>
      %mul3A_430 = arith.mulf %mul3A_429, %add3A_409 : vector<16xf32>
      %div3A_431 = arith.divf %mul3A_430, %add3A_422 : vector<16xf32>
      %sub3A_432 = arith.subf %mul3A_220, %gather3A_146 : vector<16xf32>
      %sub3A_433 = arith.subf %select_n3A_338, %gather3A_160 : vector<16xf32>
      %mul3A_434 = arith.mulf %gather3A_139, %sub3A_432 : vector<16xf32>
      %mul3A_435 = arith.mulf %mul3A_434, %sub3A_432 : vector<16xf32>
      %mul3A_436 = arith.mulf %gather3A_153, %sub3A_433 : vector<16xf32>
      %mul3A_437 = arith.mulf %mul3A_436, %sub3A_433 : vector<16xf32>
      %add3A_438 = arith.addf %mul3A_435, %mul3A_437 : vector<16xf32>
      %mul3A_439 = arith.mulf %div3A_426, %gather3A_174 : vector<16xf32>
      %add3A_440 = arith.constant 1.000000e+00 : f32
      %add3A_441 = vector.broadcast %add3A_440 : f32 to vector<16xf32>
      %add3A_442 = arith.addf %add3A_441, %mul3A_439 : vector<16xf32>
      %mul3A_443 = arith.mulf %div3A_431, %gather3A_181 : vector<16xf32>
      %add3A_444 = arith.addf %add3A_442, %mul3A_443 : vector<16xf32>
      %mul3A_445 = arith.mulf %gather3A_167, %add3A_444 : vector<16xf32>
      %add3A_446 = arith.addf %add3A_438, %mul3A_445 : vector<16xf32>
      %mul3A_447 = arith.mulf %add3A_446, %gather3A_188 : vector<16xf32>
      %add3A_448 = arith.addf %scan3A_86, %mul3A_447 : vector<16xf32>
      scf.yield %add3A_448 : vector<16xf32>
    }
    %scan3A_69 = arith.constant 512 : i32
    %scan3A_70 = arith.constant 9.99999997E-7 : f32
    %scan3A_71 = arith.constant 0 : i32
    %scan3A_72 = arith.constant 32 : i32
    %scan3A_73 = arith.addi %scan3A_71, %scan3A_72 : i32
    %scan3A_74 = arith.constant 1 : i32
    %scan3A_75 = scf.for %scan3A_85 = %scan3A_71 to %scan3A_73 step %scan3A_74 iter_args(%scan3A_86 = %scan3A_68) -> (vector<16xf32>)  : i32 {
      %mul3A_87 = arith.constant 16 : i32
      %mul3A_88 = arith.muli %scan3A_85, %mul3A_87 : i32
      %add3A_89 = vector.broadcast %mul3A_88 : i32 to vector<16xi32>
      %add3A_90 = arith.addi %add3A_89, %iota3A : vector<16xi32>
      %shift_right_arithmetic3A = arith.constant 1 : i32
      %shift_right_arithmetic3A_91 = vector.broadcast %shift_right_arithmetic3A : i32 to vector<16xi32>
      %shift_right_arithmetic3A_92 = arith.shrsi %add3A_90, %shift_right_arithmetic3A_91 : vector<16xi32>
      %and3A = arith.constant 1 : i32
      %and3A_93 = vector.broadcast %and3A : i32 to vector<16xi32>
      %and3A_94 = arith.andi %add3A_90, %and3A_93 : vector<16xi32>
      %gather3A = tpu.vector_load_idx %arg18[%shift_right_arithmetic3A_92] : memref<256xi32, #tpu.memory_space<vmem>>[vector<16xi32>], vector<16xi32>,
      %mul3A_95 = arith.constant 4 : i32
      %mul3A_96 = vector.broadcast %mul3A_95 : i32 to vector<16xi32>
      %mul3A_97 = arith.muli %shift_right_arithmetic3A_92, %mul3A_96 : vector<16xi32>
      %mul3A_98 = arith.constant 2 : i32
      %mul3A_99 = vector.broadcast %mul3A_98 : i32 to vector<16xi32>
      %mul3A_100 = arith.muli %and3A_94, %mul3A_99 : vector<16xi32>
      %add3A_101 = arith.addi %mul3A_97, %mul3A_100 : vector<16xi32>
      %gather3A_102 = tpu.vector_load_idx %arg19[%add3A_101] : memref<1024xi32, #tpu.memory_space<vmem>>[vector<16xi32>], vector<16xi32>,
      %add3A_103 = arith.constant 1 : i32
      %add3A_104 = vector.broadcast %add3A_103 : i32 to vector<16xi32>
      %add3A_105 = arith.addi %add3A_101, %add3A_104 : vector<16xi32>
      %gather3A_106 = tpu.vector_load_idx %arg19[%add3A_105] : memref<1024xi32, #tpu.memory_space<vmem>>[vector<16xi32>], vector<16xi32>,
      %and3A_107 = arith.constant 1 : i32
      %and3A_108 = vector.broadcast %and3A_107 : i32 to vector<16xi32>
      %and3A_109 = arith.andi %gather3A_106, %and3A_108 : vector<16xi32>
      %gather3A_110 = tpu.vector_load_idx %arg18[%gather3A_102] : memref<256xi32, #tpu.memory_space<vmem>>[vector<16xi32>], vector<16xi32>,
      %mul3A_111 = arith.constant 2 : i32
      %mul3A_112 = vector.broadcast %mul3A_111 : i32 to vector<16xi32>
      %mul3A_113 = arith.muli %gather3A, %mul3A_112 : vector<16xi32>
      %add3A_114 = arith.constant 6144 : i32
      %add3A_115 = vector.broadcast %add3A_114 : i32 to vector<16xi32>
      %add3A_116 = arith.addi %add3A_115, %mul3A_113 : vector<16xi32>
      %add3A_117 = arith.addi %add3A_116, %and3A_94 : vector<16xi32>
      %gather3A_118 = tpu.vector_load_idx %arg20[%add3A_117] : memref<22624xi32, #tpu.memory_space<vmem>>[vector<16xi32>], vector<16xi32>,
      %mul3A_119 = arith.constant 2 : i32
      %mul3A_120 = vector.broadcast %mul3A_119 : i32 to vector<16xi32>
      %mul3A_121 = arith.muli %gather3A_110, %mul3A_120 : vector<16xi32>
      %add3A_122 = arith.constant 6144 : i32
      %add3A_123 = vector.broadcast %add3A_122 : i32 to vector<16xi32>
      %add3A_124 = arith.addi %add3A_123, %mul3A_121 : vector<16xi32>
      %add3A_125 = arith.addi %add3A_124, %and3A_109 : vector<16xi32>
      %gather3A_126 = tpu.vector_load_idx %arg20[%add3A_125] : memref<22624xi32, #tpu.memory_space<vmem>>[vector<16xi32>], vector<16xi32>,
      %mul3A_127 = arith.constant 32 : i32
      %mul3A_128 = vector.broadcast %mul3A_127 : i32 to vector<16xi32>
      %mul3A_129 = arith.muli %shift_right_arithmetic3A_92, %mul3A_128 : vector<16xi32>
      %add3A_130 = arith.addi %mul3A_129, %gather3A_118 : vector<16xi32>
      %mul3A_131 = arith.constant 32 : i32
      %mul3A_132 = vector.broadcast %mul3A_131 : i32 to vector<16xi32>
      %mul3A_133 = arith.muli %gather3A_102, %mul3A_132 : vector<16xi32>
      %add3A_134 = arith.addi %mul3A_133, %gather3A_126 : vector<16xi32>
      %gather3A_135 = tpu.vector_load_idx %arg15[%add3A_134] : memref<8192xf32, #tpu.memory_space<vmem>>[vector<16xi32>], vector<16xf32>,
      %gather3A_136 = tpu.vector_load_idx %arg15[%add3A_130] : memref<8192xf32, #tpu.memory_space<vmem>>[vector<16xi32>], vector<16xf32>,
      %sub3A = arith.subf %gather3A_135, %gather3A_136 : vector<16xf32>
      %mul3A_137 = arith.mulf %sub3A, %sub3A : vector<16xf32>
      %add3A_138 = vector.broadcast %scan3A_70 : f32 to vector<16xf32>
      %add3A_139 = arith.addf %add3A_138, %mul3A_137 : vector<16xf32>
      %gather3A_140 = tpu.vector_load_idx %arg16[%add3A_134] : memref<8192xf32, #tpu.memory_space<vmem>>[vector<16xi32>], vector<16xf32>,
      %gather3A_141 = tpu.vector_load_idx %arg16[%add3A_130] : memref<8192xf32, #tpu.memory_space<vmem>>[vector<16xi32>], vector<16xf32>,
      %sub3A_142 = arith.subf %gather3A_140, %gather3A_141 : vector<16xf32>
      %mul3A_143 = arith.mulf %sub3A_142, %sub3A_142 : vector<16xf32>
      %add3A_144 = arith.addf %add3A_139, %mul3A_143 : vector<16xf32>
      %gather3A_145 = tpu.vector_load_idx %arg17[%add3A_134] : memref<8192xf32, #tpu.memory_space<vmem>>[vector<16xi32>], vector<16xf32>,
      %gather3A_146 = tpu.vector_load_idx %arg17[%add3A_130] : memref<8192xf32, #tpu.memory_space<vmem>>[vector<16xi32>], vector<16xf32>,
      %sub3A_147 = arith.subf %gather3A_145, %gather3A_146 : vector<16xf32>
      %mul3A_148 = arith.mulf %sub3A_147, %sub3A_147 : vector<16xf32>
      %add3A_149 = arith.addf %add3A_144, %mul3A_148 : vector<16xf32>
      %bitcast_convert_type3A = tpu.bitcast %add3A_149 : vector<16xf32> -> vector<16xi32>
      %shift_right_arithmetic3A_150 = arith.constant 1 : i32
      %shift_right_arithmetic3A_151 = vector.broadcast %shift_right_arithmetic3A_150 : i32 to vector<16xi32>
      %shift_right_arithmetic3A_152 = arith.shrsi %bitcast_convert_type3A, %shift_right_arithmetic3A_151 : vector<16xi32>
      %sub3A_153 = arith.constant 1597463007 : i32
      %sub3A_154 = vector.broadcast %sub3A_153 : i32 to vector<16xi32>
      %sub3A_155 = arith.subi %sub3A_154, %shift_right_arithmetic3A_152 : vector<16xi32>
      %bitcast_convert_type3A_156 = tpu.bitcast %sub3A_155 : vector<16xi32> -> vector<16xf32>
      %mul3A_157 = arith.constant 5.000000e-01 : f32
      %mul3A_158 = vector.broadcast %mul3A_157 : f32 to vector<16xf32>
      %mul3A_159 = arith.mulf %mul3A_158, %add3A_149 : vector<16xf32>
      %mul3A_160 = arith.mulf %mul3A_159, %bitcast_convert_type3A_156 : vector<16xf32>
      %mul3A_161 = arith.mulf %mul3A_160, %bitcast_convert_type3A_156 : vector<16xf32>
      %sub3A_162 = arith.constant 1.500000e+00 : f32
      %sub3A_163 = vector.broadcast %sub3A_162 : f32 to vector<16xf32>
      %sub3A_164 = arith.subf %sub3A_163, %mul3A_161 : vector<16xf32>
      %mul3A_165 = arith.mulf %bitcast_convert_type3A_156, %sub3A_164 : vector<16xf32>
      %mul3A_166 = arith.mulf %mul3A_159, %mul3A_165 : vector<16xf32>
      %mul3A_167 = arith.mulf %mul3A_166, %mul3A_165 : vector<16xf32>
      %sub3A_168 = arith.constant 1.500000e+00 : f32
      %sub3A_169 = vector.broadcast %sub3A_168 : f32 to vector<16xf32>
      %sub3A_170 = arith.subf %sub3A_169, %mul3A_167 : vector<16xf32>
      %mul3A_171 = arith.mulf %mul3A_165, %sub3A_170 : vector<16xf32>
      %mul3A_172 = arith.mulf %add3A_149, %mul3A_171 : vector<16xf32>
      %sub3A_173 = arith.constant 1.500000e+00 : f32
      %sub3A_174 = vector.broadcast %sub3A_173 : f32 to vector<16xf32>
      %sub3A_175 = arith.subf %mul3A_172, %sub3A_174 : vector<16xf32>
      %mul3A_176 = arith.constant 5.000000e-01 : f32
      %mul3A_177 = vector.broadcast %mul3A_176 : f32 to vector<16xf32>
      %mul3A_178 = arith.mulf %mul3A_177, %sub3A_175 : vector<16xf32>
      %mul3A_179 = arith.mulf %mul3A_178, %sub3A_175 : vector<16xf32>
      %add3A_180 = arith.addf %scan3A_86, %mul3A_179 : vector<16xf32>
      scf.yield %add3A_180 : vector<16xf32>
    }
    %scan3A_76 = arith.constant 32 : i32
    %reduce_sum3A = arith.constant true
    %reduce_sum3A_77 = vector.broadcast %reduce_sum3A : i1 to vector<16xi1>
    %reduce_sum3A_78 = tpu.scan <sum>, %scan3A_75 masked %reduce_sum3A_77 : vector<16xf32>, vector<16xi1> -> vector<16xf32>
    %reduce_sum3A_79 = vector.extract %reduce_sum3A_78[15] : f32 from vector<16xf32>
    %eq3A = arith.constant 0 : i32
    %eq3A_80 = vector.broadcast %eq3A : i32 to vector<16xi32>
    %eq3A_81 = arith.cmpi eq, %iota3A, %eq3A_80 : vector<16xi32>
    %broadcast_in_dim3A_82 = vector.broadcast %reduce_sum3A_79 : f32 to vector<16xf32>
    %jit3A = arith.constant 0.000000e+00 : f32
    %broadcast_in_dim3A_83 = vector.broadcast %jit3A : f32 to vector<16xf32>
    %select_n3A = arith.select %eq3A_81, %broadcast_in_dim3A_82, %broadcast_in_dim3A_83 : vector<16xi1>, vector<16xf32>
    %swap3A = arith.constant 0 : index
    %swap3A_84 = tpu.vector_load %arg39[%swap3A] {strides = array<i32>} : memref<16xf32, #tpu.memory_space<vmem>>, vector<16xf32>,
    tpu.vector_store %arg39[%swap3A], %select_n3A {strides = array<i32>} : memref<16xf32, #tpu.memory_space<vmem>>, vector<16xf32>,
    "tpu.region"() ({
      %run_scoped3A = tpu.sem_alloc : memref<!tpu.dma_semaphore, #tpu.memory_space<semaphore_mem>>
      %dma_start3A_85 = arith.constant 0 : i32
      %dma_start3A_86 = tpu.memref_slice %arg14[%add3A, %dma_start3A_85] : memref<32x16xf32, #tpu.memory_space<hbm>> -> memref<1x16xf32, #tpu.memory_space<hbm>>
      %dma_start3A_87 = tpu.memref_squeeze %dma_start3A_86 : memref<1x16xf32, #tpu.memory_space<hbm>> -> memref<16xf32, #tpu.memory_space<hbm>>
      %dma_start3A_88 = arith.constant 0 : i32
      %dma_start3A_89 = tpu.memref_slice %arg14[%add3A, %dma_start3A_88] : memref<32x16xf32, #tpu.memory_space<hbm>> -> memref<1x16xf32, #tpu.memory_space<hbm>>
      %dma_start3A_90 = tpu.memref_squeeze %dma_start3A_89 : memref<1x16xf32, #tpu.memory_space<hbm>> -> memref<16xf32, #tpu.memory_space<hbm>>
      tpu.enqueue_dma source(%arg39 : memref<16xf32, #tpu.memory_space<vmem>>) target(%dma_start3A_90 : memref<16xf32, #tpu.memory_space<hbm>>) target_semaphore(%run_scoped3A : memref<!tpu.dma_semaphore, #tpu.memory_space<semaphore_mem>>)
      %dma_wait3A_91 = arith.constant 0 : i32
      %dma_wait3A_92 = tpu.memref_slice %arg14[%add3A, %dma_wait3A_91] : memref<32x16xf32, #tpu.memory_space<hbm>> -> memref<1x16xf32, #tpu.memory_space<hbm>>
      %dma_wait3A_93 = tpu.memref_squeeze %dma_wait3A_92 : memref<1x16xf32, #tpu.memory_space<hbm>> -> memref<16xf32, #tpu.memory_space<hbm>>
      %dma_wait3A_94 = arith.constant 0 : i32
      %dma_wait3A_95 = tpu.memref_slice %arg14[%add3A, %dma_wait3A_94] : memref<32x16xf32, #tpu.memory_space<hbm>> -> memref<1x16xf32, #tpu.memory_space<hbm>>
      %dma_wait3A_96 = tpu.memref_squeeze %dma_wait3A_95 : memref<1x16xf32, #tpu.memory_space<hbm>> -> memref<16xf32, #tpu.memory_space<hbm>>
      tpu.wait_dma2 semaphore(%run_scoped3A : memref<!tpu.dma_semaphore, #tpu.memory_space<semaphore_mem>>) src(%arg39 : memref<16xf32, #tpu.memory_space<vmem>>) dst(%dma_wait3A_96 : memref<16xf32, #tpu.memory_space<hbm>>)
      tpu.yield
    }) : () -> ()
    return
  }
}

</mosaic_0001>

<sc_bundles>
// kernel: _run.3.cloned.1.call-start
scs
__scs_entry_jumppad:
0x0: {  	(pc) =	sbr.rel $0x88, $3  }
0x1: {  	(tag) =	ssettag $0x0;
	lr =	simm.s32 $0x1  }
0x2: {  	[smem:$0x3F95] =	sst lr;
	_ =	strace $0xD0000000  }
0x3: {  	_ = 	snop  }
0x4: {  	_ = 	snop  }
0x5: {  	_ = 	snop  }
0x6: {  	_ = 	snop  }
0x7: {  	_ = 	snop  }
__scs_overlays_trampoline_lowered:
0x8: {  	[smem:$0x3FA4] =	sst s0  }
0x9: {  	[smem:$0x3FA5] =	sst s1  }
0xa: {  	[smem:$0x3FA6] =	sst s2  }
0xb: {  	[smem:$0x3FA7] =	sst s3  }
0xc: {  	[smem:$0x3FA8] =	sst s4  }
0xd: {  	[smem:$0x3FA9] =	sst s5  }
0xe: {  	[smem:$0x3FAA] =	sst s6  }
0xf: {  	[smem:$0x3FAB] =	sst s7  }
0x10: {  	[smem:$0x3FAC] =	sst s8  }
0x11: {  	[smem:$0x3FAD] =	sst s9;
	s0 =	simm.s32 @!p0 $0x0  }
0x12: {  	s1 =	sld [smem:$0x3F93];
	s0 =	simm.s32 @p0 $0x1  }
0x13: {  	[smem:$0x3FAE] =	sst s0;
	s0 =	simm.s32 @!p1 $0x0  }
0x14: {  	s2 =	sld [smem:$0x3F92];
	s0 =	simm.s32 @p1 $0x1  }
0x15: {  	[smem:$0x3FAF] =	sst s0;
	s0 =	simm.s32 @!p2 $0x0  }
0x16: {  	s3 =	sld [smem:$0x3FDB];
	s0 =	simm.s32 @p2 $0x1  }
0x17: {  	s4 =	simm.s32 $0x1BF5;
	[smem:$0x3FB1] =	sst s0  }
0x18: {  	s0 =	sld [smem:$0x3F94];
	_ =	swait.ge [sflag:s4], $0x0  }
0x19: {  	s7 =	sld [smem:$0x3F95]  }
0x1a: {  	s8 =	sadd.s32 $0xFFFFE003, lr  }
0x1b: {  	s9 =	sadd.s32 $0xFFFFFEF7, lr;
	s5 =	simm.s32 $0xFFFFFFFF;
	p2 =	slt.u32 s8, $0xFFFFF086  }
0x1c: {  	p1 =	slt.u32 s9, $0xF7A;
	s5 =	simm.s32 @!p2 $0x0  }
0x1d: {  	s5 =	simm.s32 @p1 $0x1;
	p0 =	seq.s32 s7, s2  }
0x1e: {  	s7 =	smul.u32 @!p0 $0xF7A, s2;
	p2 =	seq.s32 @!p0 s5, $0x0  }
0x1f: {  	s9 =	smul.u32 $0xF7A, s1;
	s8 =	simm.s32 @!p0 $0x1BF5;
	p2 =	por !p2, p0  }
0x20: {  	[sflag:s8] =	ssyncset.s32 @!p0 $0xFFFFF086;
	s6 =	sadd.s32 @!p0 s3, s7;
	s7 =	simm.s32 @!p0 $0x108  }
0x21: {  	s3 =	sadd.s32 s3, s9;
	s6 =	sadd.s32 @!p0 $0x88, s6;
	s7 =	simm.s32 @p2 $0x1082  }
0x22: {  	[simem:s7], [sflag:s8] =	dma.local @!p0 [hbm:s6], $0xF7A  }
0x23: {  	s9 =	sor.u32 $0xD0000000, s2;
	s6 =	simm.s32 $0x108;
	_ =	swait.ge @!p0 [sflag:s8], $0x0  }
0x24: {  	s3 =	sadd.s32 $0x88, s3;
	s6 =	simm.s32 @!p1 $0x1082;
	[sflag:s4] =	ssyncset.s32 $0xFFFFF086  }
0x25: {  	[simem:s6], [sflag:s4] =	dma.local [hbm:s3], $0xF7A  }
0x26: {  	[smem:$0x3F95] =	sst s1;
	(tag) =	ssettag s2;
	_ =	strace s9  }
0x27: {  	s1 =	sld [smem:$0x3FA5]  }
0x28: {  	s2 =	sld [smem:$0x3FA6]  }
0x29: {  	s4 =	sld [smem:$0x3FA8]  }
0x2a: {  	p0 =	seq.s32 s5, $0x0;
	s5 =	sld [smem:$0x3FA9]  }
0x2b: {  	s6 =	sld [smem:$0x3FAA]  }
0x2c: {  	s7 =	sld [smem:$0x3FAB]  }
0x2d: {  	s3 =	simm.s32 $0x108;
	s8 =	sld [smem:$0x3FAC]  }
0x2e: {  	s3 =	simm.s32 @!p0 $0x1082;
	s9 =	sld [smem:$0x3FAD]  }
0x2f: {  	lr =	sadd.s32 s0, s3;
	s0 =	sld [smem:$0x3FA4]  }
0x30: {  	s3 =	sld [smem:$0x3FA7]  }
0x31: {  	[smem:$0x3FB0] =	sst s10  }
0x32: {  	s10 =	sld [smem:$0x3FAE];
	_ =	sdelay $0x3  }
0x33: {  	p0 =	seq.s32 s10, $0x1;
	s10 =	sld [smem:$0x3FB0];
	_ =	sdelay $0x3  }
0x34: {  	[smem:$0x3FB0] =	sst s10  }
0x35: {  	s10 =	sld [smem:$0x3FAF];
	_ =	sdelay $0x3  }
0x36: {  	p1 =	seq.s32 s10, $0x1;
	s10 =	sld [smem:$0x3FB0];
	_ =	sdelay $0x3  }
0x37: {  	[smem:$0x3FB0] =	sst s10  }
0x38: {  	s10 =	sld [smem:$0x3FB1]  }
0x39: {  	_ = 	snop;
	(pc) =	sbr.ind lr, $3  }
0x3a: {  	_ = 	snop  }
0x3b: {  	_ = 	snop  }
0x3c: {  	p2 =	seq.s32 s10, $0x1;
	s10 =	sld [smem:$0x3FB0]  }
0x3d: {  	_ =	shalt  }
0x3e: {  	_ =	shalt  }
0x3f: {  	_ =	shalt  }
0x40: {  	_ =	shalt  }
0x41: {  	_ =	shalt  }
0x42: {  	_ =	shalt  }
0x43: {  	_ =	shalt  }
0x44: {  	_ =	shalt  }
0x45: {  	_ =	shalt  }
0x46: {  	_ =	shalt  }
0x47: {  	_ =	shalt  }
0x48: {  	_ =	shalt  }
0x49: {  	_ =	shalt  }
0x4a: {  	_ =	shalt  }
0x4b: {  	_ =	shalt  }
0x4c: {  	_ =	shalt  }
0x4d: {  	_ =	shalt  }
0x4e: {  	_ =	shalt  }
0x4f: {  	_ =	shalt  }
0x50: {  	_ =	shalt  }
0x51: {  	_ =	shalt  }
0x52: {  	_ =	shalt  }
0x53: {  	_ =	shalt  }
0x54: {  	_ =	shalt  }
0x55: {  	_ =	shalt  }
0x56: {  	_ =	shalt  }
0x57: {  	_ =	shalt  }
0x58: {  	_ =	shalt  }
0x59: {  	_ =	shalt  }
0x5a: {  	_ =	shalt  }
0x5b: {  	_ =	shalt  }
0x5c: {  	_ =	shalt  }
0x5d: {  	_ =	shalt  }
0x5e: {  	_ =	shalt  }
0x5f: {  	_ =	shalt  }
0x60: {  	_ =	shalt  }
0x61: {  	_ =	shalt  }
0x62: {  	_ =	shalt  }
0x63: {  	_ =	shalt  }
0x64: {  	_ =	shalt  }
0x65: {  	_ =	shalt  }
0x66: {  	_ =	shalt  }
0x67: {  	_ =	shalt  }
0x68: {  	_ =	shalt  }
0x69: {  	_ =	shalt  }
0x6a: {  	_ =	shalt  }
0x6b: {  	_ =	shalt  }
0x6c: {  	_ =	shalt  }
0x6d: {  	_ =	shalt  }
0x6e: {  	_ =	shalt  }
0x6f: {  	_ =	shalt  }
0x70: {  	_ =	shalt  }
0x71: {  	_ =	shalt  }
0x72: {  	_ =	shalt  }
0x73: {  	_ =	shalt  }
0x74: {  	_ =	shalt  }
0x75: {  	_ =	shalt  }
0x76: {  	_ =	shalt  }
0x77: {  	_ =	shalt  }
0x78: {  	_ =	shalt  }
0x79: {  	_ =	shalt  }
0x7a: {  	_ =	shalt  }
0x7b: {  	_ =	shalt  }
0x7c: {  	_ =	shalt  }
0x7d: {  	_ =	shalt  }
0x7e: {  	_ =	shalt  }
0x7f: {  	_ =	shalt  }
0x80: {  	_ =	shalt  }
0x81: {  	_ =	shalt  }
0x82: {  	_ =	shalt  }
0x83: {  	_ =	shalt  }
0x84: {  	_ =	shalt  }
0x85: {  	_ =	shalt  }
0x86: {  	_ =	shalt  }
0x87: {  	_ =	shalt  }
.Lfunc_end0:
.L_simem_size_0:
called_computation_lowered:
.L_overlay_start_0:
0x88: {  	s2 =	sld [smem:$0x3FD9]  }
0x89: {  	s3 =	sld [smem:$0x3FFE];
	_ =	sdelay $0x1  }
0x8a: {  	s1 =	srdreg.scid  }
0x8b: {  	s0 =	sand.u32 $0x1, s1  }
0x8c: {  	s26 =	sshll.u32 s0, $0xA;
	s2 =	sadd.s32 s3, s2  }
0x8d: {  	s2 =	sadd.s32 s2, s26  }
0x8e: {  	[smem:$0x3FBC] =	sst s2  }
0x8f: {  	_ = 	snop  }
0x90: {  	s2 =	sld [smem:$0x3FC9]  }
0x91: {  	s3 =	sld [smem:$0x3FC8]  }
0x92: {  	s4 =	sld [smem:$0x3FC7]  }
0x93: {  	s5 =	sld [smem:$0x3FC6]  }
0x94: {  	s6 =	sld [smem:$0x3FC5]  }
0x95: {  	s7 =	sld [smem:$0x3FC4]  }
0x96: {  	s8 =	sld [smem:$0x3FC3]  }
0x97: {  	s9 =	sld [smem:$0x3FC2]  }
0x98: {  	s10 =	sld [smem:$0x3FC1]  }
0x99: {  	s11 =	sld [smem:$0x3FC0]  }
0x9a: {  	s12 =	sld [smem:$0x3FBF]  }
0x9b: {  	s13 =	sld [smem:$0x3FBE];
	(tm) =	ssettm $0x1  }
0x9c: {  	s14 =	sld [smem:$0x3FFB];
	_ =	sdelay $0x3  }
0x9d: {  	_ =	strace s14  }
0x9e: {  	s14 =	sld [smem:$0x3FFC];
	_ =	sdelay $0x3  }
0x9f: {  	_ =	strace s14  }
0xa0: {  	s14 =	sld [smem:$0x3FFD];
	_ =	sdelay $0x3  }
0xa1: {  	_ =	strace s14  }
0xa2: {  	_ =	strace $0x8FFFFFFF  }
0xa3: {  	s28 =	sld [smem:$0x3FDB];
	_ =	sdelay $0x1  }
0xa4: {  	s15 =	simm.s32 $_scs_section_size  }
0xa5: {  	s16 =	simm.s32 $_size__tile_task_arg_handler_lowered;
	s17 =	simm.s32 $_tile_task_arg_handler_lowered  }
0xa6: {  	s31 =	simm.s32 $0x1BFF;
	s30 =	sshll.u32 s17, $0x1;
	s15 =	sadd.s32 s15, s28  }
0xa7: {  	s18 =	simm.s32 $0x60;
	s29 =	sshll.u32 s16, $0x1;
	s16 =	sadd.s32 s30, s15  }
0xa8: {  	[timem:s18], [sflag:s31] =	dma.local [hbm:s16], s29  }
0xa9: {  	_ =	swait.ge [sflag:s31], s29  }
0xaa: {  	s14 =	ssub.s32 $0x0, s29;
	s18 =	simm.s32 $_tile_overlayer_lowered;
	[sflag:s31] =	ssyncset.done $0x0  }
0xab: {  	s19 =	simm.s32 $_size__tile_overlayer_lowered;
	s16 =	sshll.u32 s18, $0x1;
	[sflag:s31] =	ssyncadd.s32 s14  }
0xac: {  	s21 =	simm.s32 $0x0;
	s20 =	sshll.u32 s19, $0x1;
	s16 =	sadd.s32 s16, s15  }
0xad: {  	[timem:s21], [sflag:s31] =	dma.local [hbm:s16], s20  }
0xae: {  	_ =	swait.ge [sflag:s31], s20  }
0xaf: {  	s22 =	ssub.s32 $0x0, s20;
	[sflag:s31] =	ssyncset.done $0x0  }
0xb0: {  	[sflag:s31] =	ssyncadd.s32 s22;
	_ =	sdelay $0x1  }
0xb1: {  	s23 =	simm.s32 $0x1B8B  }
0xb2: {  	_ =	swait.ge [sflag:s23], $0x1  }
0xb3: {  	[sflag:s23] =	ssyncset.done $0x0  }
0xb4: {  	s25 =	simm.s32 $0x1B8E;
	s24 =	sld [smem:$0x3FFE];
	[sflag:s23] =	ssyncadd.s32 $0xFFFFFFFF  }
0xb5: {  	s26 =	simm.s32 $execute0_lowered;
	[smem:$0x3FD2] =	sst s25  }
0xb6: {  	s17 =	sshll.u32 s26, $0x1;
	_ =	strace $0x80000046;
	[dreg:$0x1] =	wrdreg $0xFFFFFFFF  }
0xb7: {  	s28 =	simm.s32 $_size_execute0_lowered;
	s15 =	sadd.s32 s15, s17;
	[dreg:$0x0] =	wrdreg $0x0  }
0xb8: {  	s17 =	sshll.u32 s28, $0x1;
	[dreg:$0x2] =	wrdreg s15  }
0xb9: {  	[dreg:$0x3] =	wrdreg s17  }
0xba: {  	[dreg:$0x4] =	wrdreg $0xC0  }
0xbb: {  	_ =	task [dreg:s21], $0x5FFFF  }
0xbc: {  	[dreg:$0x1] =	wrdreg $0xFFFFFFFF  }
0xbd: {  	[dreg:$0x0] =	wrdreg $0x30  }
0xbe: {  	[dreg:$0x2] =	wrdreg $0x0  }
0xbf: {  	[dreg:$0x3] =	wrdreg $0x9  }
0xc0: {  	_ =	task [dreg:s21], $0x4FFFF  }
0xc1: {  	[dreg:$0x1] =	wrdreg $0xFFFFFFFF  }
0xc2: {  	[dreg:$0x0] =	wrdreg $0x60  }
0xc3: {  	[dreg:$0x2] =	wrdreg s2  }
0xc4: {  	[dreg:$0x3] =	wrdreg s3  }
0xc5: {  	[dreg:$0x4] =	wrdreg s4  }
0xc6: {  	[dreg:$0x5] =	wrdreg s5  }
0xc7: {  	[dreg:$0x6] =	wrdreg s6  }
0xc8: {  	[dreg:$0x7] =	wrdreg s7  }
0xc9: {  	[dreg:$0x8] =	wrdreg s8  }
0xca: {  	[dreg:$0x9] =	wrdreg s9  }
0xcb: {  	[dreg:$0xa] =	wrdreg s10  }
0xcc: {  	[dreg:$0xb] =	wrdreg s11  }
0xcd: {  	[dreg:$0xc] =	wrdreg s12  }
0xce: {  	[dreg:$0xd] =	wrdreg s13  }
0xcf: {  	[dreg:$0xe] =	wrdreg s24  }
0xd0: {  	[dreg:$0xf] =	wrdreg $0xC7000  }
0xd1: {  	_ =	task.clear_ibuf [dreg:s21], $0x10FFFF;
	_ =	strace $0x90000046  }
0xd2: {  	s29 =	simm.s32 $0x9;
	_ =	strace $0x80000048  }
0xd3: {  	_ =	swait.ge [sflag:s29], $0x1  }
0xd4: {  	[sflag:s29] =	ssyncadd.s32 $0xFFFFFFFF  }
0xd5: {  	_ =	strace $0x90000048  }
0xd6: {  	_ =	sfence  }
0xd7: {  	s30 =	sld [smem:$0x0];
	_ =	sdelay $0x2  }
0xd8: {  	s31 =	sshll.u32 s1, $0xD;
	s1 =	sshrl.u32 s1, $0x2  }
0xd9: {  	s3 =	sand.u32 $0x4000, s31;
	s1 =	sadd.s32 s1, s30  }
0xda: {  	s0 =	sor.u32 s3, s0;
	s1 =	sshll.u32 s1, $0x11  }
0xdb: {  	s0 =	sor.u32 s1, s0  }
0xdc: {  	s0 =	sadd.s32 $0x8F2B, s0  }
0xdd: {  	[sflag:s0] =	ssyncadd.remote.s32 $0x1  }
0xde: {  	_ =	sfence.sel $0xFFFF  }
0xdf: {  	[dreg:$0x0] =	wrdreg $0xFFFFFFFF;
	(pc) =	sbr.abs _section_cstart, $3  }
0xe0: {  	[dreg:$0x1] =	wrdreg $0xFFFFFFFF  }
0xe1: {  	_ =	task.clear_ibuf [dreg:s21], $0x2FFFF;
	_ =	strace $0x9FFFFFFF  }
0xe2: {  	(tm) =	ssettm $0x7FFFFFFF  }
0xe3: {  	_ =	shalt  }
tec
_tile_task_arg_handler_lowered:
.L_overlay_start_1:
0x0: {  	(tag) =	ssettag $0x1  }
0x1: {  	s0 =	rddreg [dreg:$0x0]  }
0x2: {  	s1 =	rddreg [dreg:$0x1]  }
0x3: {  	s2 =	rddreg [dreg:$0x2]  }
0x4: {  	s3 =	rddreg [dreg:$0x3]  }
0x5: {  	s4 =	rddreg [dreg:$0x4]  }
0x6: {  	s5 =	rddreg [dreg:$0x5]  }
0x7: {  	s6 =	rddreg [dreg:$0x6]  }
0x8: {  	s7 =	rddreg [dreg:$0x7]  }
0x9: {  	s8 =	rddreg [dreg:$0x8]  }
0xa: {  	s9 =	rddreg [dreg:$0x9]  }
0xb: {  	s10 =	rddreg [dreg:$0xa]  }
0xc: {  	s11 =	rddreg [dreg:$0xb]  }
0xd: {  	s12 =	rddreg [dreg:$0xc]  }
0xe: {  	s13 =	rddreg [dreg:$0xd]  }
0xf: {  	[smem:s0] =	sst s1  }
0x10: {  	[smem:s0+$0x1] =	sst s2  }
0x11: {  	[smem:s0+$0x2] =	sst s3  }
0x12: {  	[smem:s0+$0x3] =	sst s4  }
0x13: {  	[smem:s0+$0x4] =	sst s5  }
0x14: {  	[smem:s0+$0x5] =	sst s6  }
0x15: {  	[smem:s0+$0x6] =	sst s7  }
0x16: {  	[smem:s0+$0x7] =	sst s8  }
0x17: {  	[smem:s0+$0x8] =	sst s9  }
0x18: {  	[smem:s0+$0x9] =	sst s10  }
0x19: {  	[smem:s0+$0xA] =	sst s11  }
0x1a: {  	[smem:s0+$0xB] =	sst s12  }
0x1b: {  	[smem:s0+$0xC] =	sst s13;
	_ =	shalt  }
.Lfunc_end2:
execute0_lowered:
.L_overlay_start_2:
0x1c: {  	(tag) =	ssettag $0x2  }
0x1d: {  	s0 =	rddreg [dreg:$0x0]  }
0x1e: {  	s1 =	rddreg [dreg:$0x1]  }
0x1f: {  	s2 =	rddreg [dreg:$0x2]  }
0x20: {  	s3 =	rddreg [dreg:$0x3]  }
0x21: {  	s4 =	rddreg [dreg:$0x4]  }
0x22: {  	s5 =	rddreg [dreg:$0xc]  }
0x23: {  	s14 =	rddreg [dreg:$0xd]  }
0x24: {  	s10 =	simm.s32 $0x0;
	s6 =	srdreg.scid;
	s13 =	stileid.u32  }
0x25: {  	s28 =	simm.s32 $0x6500;
	s29 =	simm.s32 $0xBD80;
	s30 =	simm.s32 $0xBE00  }
0x26: {  	s31 =	simm.s32 $0xBE80;
	s15 =	simm.s32 $0xC500;
	s17 =	simm.s32 $0xC900  }
0x27: {  	[smem:$0x7FF] =	sst s10;
	s6 =	sand.u32 $0x1, s6;
	s18 =	sshll.u32 s13, $0x8  }
0x28: {  	s8 =	sshrl.u32 s13, $0x2;
	s24 =	sshll.u32 s13, $0x9;
	s16 =	sshll.u32 s13, $0x6  }
0x29: {  	s13 =	simm.s32 $0xC480;
	s7 =	sld [smem:$0x0];
	s9 =	sshll.u32 s6, $0x7  }
0x2a: {  	s19 =	sshll.u32 s8, $0xA;
	s6 =	ssub.s32 $0x2, s6;
	s11 =	sshll.u32 s8, $0x10  }
0x2b: {  	s21 =	sshll.u32 s8, $0xB;
	s8 =	sshll.u32 s8, $0xD;
	s12 =	sshrl.u32 s6, $0x1  }
0x2c: {  	s6 =	ssub.s32 s6, s12;
	s12 =	simm.s32 $0xC180;
	[dreg:$0xe] =	wrdreg s7  }
0x2d: {  	s7 =	sand.u32 $0x300, s18;
	s26 =	smax.u32 s6, $0x1;
	s6 =	simm.s32 $0xC100  }
0x2e: {  	s18 =	simm.s32 $0x0;
	_ =	strace $0x80000047;
	s7 =	sor.u32 s9, s7  }
0x2f: {  	[dreg:$0x16] =	wrdreg s26;
	s26 =	simm.s32 $0x6100;
	s11 =	sor.u32 s11, s7  }
0x30: {  	s9 =	sor.u32 s19, s7;
	s22 =	sor.u32 s8, s7;
	s20 =	sshrl.u32 s11, $0x3  }
0x31: {  	s8 =	simm.s32 $0xBF00;
	s9 =	sshrl.u32 s9, $0x3;
	s0 =	sadd.s32 s0, s20  }
0x32: {  	s11 =	simm.s32 $0xC400;
	s1 =	sadd.s32 s1, s20;
	[dreg:$0xf] =	wrdreg s0  }
0x33: {  	s5 =	sadd.s32 s9, s5;
	s2 =	sadd.s32 s2, s20;
	[dreg:$0x10] =	wrdreg s1  }
0x34: {  	s9 =	simm.s32 $0xBF80;
	s0 =	sor.u32 s21, s7;
	[dreg:$0x11] =	wrdreg s2  }
0x35: {  	s1 =	sshrl.u32 s22, $0x3;
	s25 =	sadd.s32 $0x400, s5;
	s22 =	simm.s32 $0x2  }
0x36: {  	s2 =	simm.s32 $0xC000;
	s5 =	simm.s32 $0xC380;
	s0 =	sshrl.u32 s0, $0x3  }
0x37: {  	s23 =	sadd.s32 s4, s1;
	[dreg:$0x15] =	wrdreg s25;
	s25 =	simm.s32 $0x6000  }
0x38: {  	s1 =	simm.s32 $0xC280;
	s4 =	simm.s32 $0xC080;
	s0 =	sadd.s32 s3, s0  }
0x39: {  	[dreg:$0x13] =	wrdreg s23;
	s23 =	simm.s32 $0x2000;
	s3 =	simm.s32 $0xC300  }
0x3a: {  	v0 =	vlaneseq.u32;
	v1 =	vimm.f32 $0.0e+00;
	[dreg:$0x12] =	wrdreg s0;
	s0 =	sadd.s32 s24, s14;
	s24 =	simm.s32 $0x4000  }
0x3b: {  	v2 =	vor.u32 $0x400, v0;
	v3 =	vor.u32 $0x800, v0;
	v4 =	vor.u32 $0xC00, v0;
	s14 =	simm.s32 $0x1;
	[dreg:$0x14] =	wrdreg s0;
	s0 =	simm.s32 $0xC200  }
.LBB3_1:
0x3c: {  	s7 =	rddreg [dreg:$0xf];
	s19 =	simm.s32 $0x80;
	s20 =	simm.s32 $0x400  }
0x3d: {  	[tilespmem:s10], [sflag:$0x2] =	stream.strided.gather [hbm4b:s7+s19], $0x2000, s20, s19, $0x38;
	[tilespmem:$0xE980] =	vst v63  }
0x3e: {  	_ =	swait.ge [sflag:s22], $0x2000  }
0x3f: {  	[sflag:s22] =	ssyncset.done $0x0  }
0x40: {  	s21 =	rddreg [dreg:$0x10];
	[sflag:s22] =	ssyncadd.s32 $0xFFFFE000  }
0x41: {  	[tilespmem:s23], [sflag:$0x2] =	stream.strided.gather [hbm4b:s21+s19], $0x2000, s20, s19, $0x38;
	[tilespmem:$0xE980] =	vst v63  }
0x42: {  	_ =	swait.ge [sflag:s22], $0x2000  }
0x43: {  	[sflag:s22] =	ssyncset.done $0x0  }
0x44: {  	s21 =	rddreg [dreg:$0x11];
	[sflag:s22] =	ssyncadd.s32 $0xFFFFE000  }
0x45: {  	[tilespmem:s24], [sflag:$0x2] =	stream.strided.gather [hbm4b:s21+s19], $0x2000, s20, s19, $0x38;
	[tilespmem:$0xE980] =	vst v63  }
0x46: {  	_ =	swait.ge [sflag:s22], $0x2000  }
0x47: {  	[sflag:s22] =	ssyncset.done $0x0  }
0x48: {  	s21 =	rddreg [dreg:$0x12];
	[sflag:s22] =	ssyncadd.s32 $0xFFFFE000  }
0x49: {  	[tilespmem:s25], [sflag:$0x2] =	stream.strided.gather [hbm4b:s21+s19], $0x100, s20, s19, $0x38;
	[tilespmem:$0xE980] =	vst v63  }
0x4a: {  	_ =	swait.ge [sflag:s22], $0x100  }
0x4b: {  	[sflag:s22] =	ssyncset.done $0x0  }
0x4c: {  	s21 =	rddreg [dreg:$0x13];
	[sflag:s22] =	ssyncadd.s32 $0xFFFFFF00  }
0x4d: {  	[tilespmem:s26], [sflag:$0x2] =	stream.strided.gather [hbm4b:s21+s19], $0x400, s20, s19, $0x38;
	[tilespmem:$0xE980] =	vst v63  }
0x4e: {  	_ =	swait.ge [sflag:s22], $0x400  }
0x4f: {  	[sflag:s22] =	ssyncset.done $0x0  }
0x50: {  	s20 =	sor.u32 s16, s10;
	[sflag:s22] =	ssyncadd.s32 $0xFFFFFC00  }
0x51: {  	v5 =	vor.u32 s20, v0;
	s21 =	rddreg [dreg:$0x5]  }
0x52: {  	v6 =	vand.u32 $0x3FF, v5;
	[tilespmem:s28], [sflag:$0x2] =	stream.linear.gather [hbm4b:s21+s10], $0x5880, $0x38;
	[tilespmem:$0xE980] =	vst v63  }
0x53: {  	v7 =	vor.u32 $0x400, v6;
	_ =	swait.ge [sflag:s22], $0x5880  }
0x54: {  	v8 =	vor.u32 $0x800, v6;
	[sflag:s22] =	ssyncset.done $0x0  }
0x55: {  	[sflag:s22] =	ssyncadd.s32 $0xFFFFA780  }
0x56: {  	v5 =	vld.idx.msk [tilespmem:v5+s28+$0x0], $0xffff;
	_ =	sdelay $0x1  }
0x57: {  	v9 =	vmov s20;
	v6 =	vor.u32 $0xC00, v6;
	v7 =	vld.idx.msk [tilespmem:v7+s28+$0x0], $0xffff  }
0x58: {  	v9 =	vand.u32 $0x3E0, v9;
	v8 =	vld.idx.msk [tilespmem:v8+s28+$0x0], $0xffff  }
0x59: {  	v10 =	vor.u32 $0x1000, v9  }
0x5a: {  	v9 =	vor.u32 $0x1400, v9;
	v11 =	vadd.s32 v10, v5  }
0x5b: {  	v5 =	vadd.s32 v9, v5  }
0x5c: {  	v6 =	vld.idx.msk [tilespmem:v6+s28+$0x0], $0xffff;
	v12 =	vadd.s32 v10, v7  }
0x5d: {  	v13 =	vadd.s32 v10, v8  }
0x5e: {  	v7 =	vadd.s32 v9, v7  }
0x5f: {  	v11 =	vld.idx.msk [tilespmem:v11+s28+$0x0], $0xffff  }
0x60: {  	v8 =	vadd.s32 v9, v8;
	v14 =	vld.idx.msk [tilespmem:v5+s28+$0x0], $0xffff  }
0x61: {  	v5 =	vadd.s32 v10, v6;
	v10 =	vld.idx.msk [tilespmem:v12+s28+$0x0], $0xffff  }
0x62: {  	v12 =	vld.idx.msk [tilespmem:v13+s28+$0x0], $0xffff  }
0x63: {  	v9 =	vadd.s32 v9, v6;
	v7 =	vld.idx.msk [tilespmem:v7+s28+$0x0], $0xffff;
	_ =	sdelay $0x1  }
0x64: {  	v8 =	vld.idx.msk [tilespmem:v8+s28+$0x0], $0xffff  }
0x65: {  	v13 =	vld.idx.msk [tilespmem:v5+s28+$0x0], $0xffff  }
0x66: {  	v6 =	vmul.u32 $0x83, v11;
	v10 =	vmul.u32 $0x1F, v10;
	v5 =	vor.u32 s10, v0  }
0x67: {  	s19 =	simm.s32 $0x10;
	v11 =	vmul.u32 $0x7, v12;
	v12 =	vmul.u32 $0x83, v14;
	v14 =	vmul.u32 $0x1F, v7;
	v7 =	vld.idx.msk [tilespmem:v9+s28+$0x0], $0xffff  }
0x68: {  	s21 =	sor.u32 s16, s19;
	v10 =	vadd.s32 v6, v10  }
0x69: {  	v15 =	vmul.u32 $0x7, v8;
	v6 =	vor.u32 s21, v0;
	v11 =	vadd.s32 v11, v10  }
0x6a: {  	v12 =	vadd.s32 v12, v14;
	v10 =	vand.u32 $0x3FF, v6;
	v11 =	vadd.s32 v13, v11  }
0x6b: {  	s20 =	simm.s32 $0x20;
	v12 =	vadd.s32 v15, v12;
	v9 =	vor.u32 $0x400, v10;
	v8 =	vor.u32 $0x800, v10;
	[tilespmem:v5+s29+$0x0] =	vst.idx.msk $0xffff, v11  }
.LBB3_2:
0x6c: {  	p0 =	sne.s32 s20, $0x30;
	v10 =	vor.u32 $0xC00, v10;
	v7 =	vadd.s32 v7, v12;
	v11 =	vand.u32 $0x3FFF, v11;
	s7 =	smov.u32 s20;
	s20 =	sadd.s32 $0x10, s20  }
0x6d: {  	v12 =	vmov s21;
	v7 =	vand.u32 $0x3FFF, v7;
	[tilespmem:v5+s30+$0x0] =	vst.idx.msk $0xffff, v11  }
0x6e: {  	v11 =	vand.u32 $0x3E0, v12;
	[tilespmem:v5+s31+$0x0] =	vst.idx.msk $0xffff, v7  }
0x6f: {  	v5 =	vld.idx.msk [tilespmem:v6+s28+$0x0], $0xffff  }
0x70: {  	v6 =	vld.idx.msk [tilespmem:v9+s28+$0x0], $0xffff  }
0x71: {  	v7 =	vld.idx.msk [tilespmem:v8+s28+$0x0], $0xffff;
	_ =	sdelay $0x2  }
0x72: {  	v9 =	vor.u32 $0x1400, v11;
	v8 =	vor.u32 $0x1000, v11  }
0x73: {  	v11 =	vadd.s32 v8, v5;
	v5 =	vadd.s32 v9, v5;
	v10 =	vld.idx.msk [tilespmem:v10+s28+$0x0], $0xffff  }
0x74: {  	v12 =	vadd.s32 v8, v6;
	v6 =	vadd.s32 v9, v6  }
0x75: {  	v13 =	vadd.s32 v8, v7;
	v7 =	vadd.s32 v9, v7;
	_ =	sdelay $0x2  }
0x76: {  	v11 =	vld.idx.msk [tilespmem:v11+s28+$0x0], $0xffff  }
0x77: {  	v14 =	vld.idx.msk [tilespmem:v5+s28+$0x0], $0xffff;
	v5 =	vadd.s32 v8, v10;
	v8 =	vadd.s32 v9, v10  }
0x78: {  	v9 =	vld.idx.msk [tilespmem:v12+s28+$0x0], $0xffff  }
0x79: {  	v10 =	vld.idx.msk [tilespmem:v13+s28+$0x0], $0xffff  }
0x7a: {  	v6 =	vld.idx.msk [tilespmem:v6+s28+$0x0], $0xffff  }
0x7b: {  	v12 =	vld.idx.msk [tilespmem:v7+s28+$0x0], $0xffff  }
0x7c: {  	v13 =	vld.idx.msk [tilespmem:v5+s28+$0x0], $0xffff;
	_ =	sdelay $0x1  }
0x7d: {  	v11 =	vmul.u32 $0x83, v11;
	v5 =	vor.u32 s19, v0;
	s19 =	smov.u32 s7;
	v9 =	vmul.u32 $0x1F, v9;
	v7 =	vld.idx.msk [tilespmem:v8+s28+$0x0], $0xffff  }
.Ltmp0:
0x7e: {  	v8 =	vmul.u32 $0x7, v10;
	(pc) =	sbr.rel @p0 .LBB3_2-.Ltmp0, $4  }
0x7f: {  	v14 =	vmul.u32 $0x83, v14;
	s21 =	sor.u32 s16, s19;
	v9 =	vadd.s32 v11, v9;
	v11 =	vmul.u32 $0x1F, v6  }
0x80: {  	v6 =	vor.u32 s21, v0;
	v8 =	vadd.s32 v8, v9;
	v12 =	vmul.u32 $0x7, v12  }
0x81: {  	v10 =	vand.u32 $0x3FF, v6;
	v14 =	vadd.s32 v14, v11;
	v11 =	vadd.s32 v13, v8  }
0x82: {  	v9 =	vor.u32 $0x400, v10;
	v8 =	vor.u32 $0x800, v10;
	v12 =	vadd.s32 v12, v14;
	[tilespmem:v5+s29+$0x0] =	vst.idx.msk $0xffff, v11  }
0x83: {  	_ =	sdelay $0x2  }
0x84: {  	v7 =	vadd.s32 v7, v12;
	v11 =	vand.u32 $0x3FFF, v11  }
0x85: {  	v7 =	vand.u32 $0x3FFF, v7;
	[tilespmem:v5+s30+$0x0] =	vst.idx.msk $0xffff, v11  }
0x86: {  	[tilespmem:v5+s31+$0x0] =	vst.idx.msk $0xffff, v7  }
0x87: {  	v5 =	vld.idx.msk [tilespmem:v6+s28+$0x0], $0xffff;
	_ =	sdelay $0x1  }
0x88: {  	v7 =	vmov s21;
	v6 =	vor.u32 $0xC00, v10;
	v9 =	vld.idx.msk [tilespmem:v9+s28+$0x0], $0xffff  }
0x89: {  	v7 =	vand.u32 $0x3E0, v7;
	v8 =	vld.idx.msk [tilespmem:v8+s28+$0x0], $0xffff  }
0x8a: {  	v44 =	vor.u32 $0x1000, v7  }
0x8b: {  	v7 =	vor.u32 $0x1400, v7;
	v45 =	vadd.s32 v44, v5  }
0x8c: {  	v5 =	vadd.s32 v7, v5  }
0x8d: {  	v6 =	vld.idx.msk [tilespmem:v6+s28+$0x0], $0xffff;
	v46 =	vadd.s32 v44, v9  }
0x8e: {  	v13 =	vadd.s32 v44, v8  }
0x8f: {  	v9 =	vadd.s32 v7, v9  }
0x90: {  	v8 =	vadd.s32 v7, v8;
	v11 =	vld.idx.msk [tilespmem:v45+s28+$0x0], $0xffff  }
0x91: {  	v5 =	vld.idx.msk [tilespmem:v5+s28+$0x0], $0xffff  }
0x92: {  	v10 =	vadd.s32 v44, v6;
	v12 =	vld.idx.msk [tilespmem:v46+s28+$0x0], $0xffff  }
0x93: {  	v6 =	vadd.s32 v7, v6;
	v7 =	vld.idx.msk [tilespmem:v13+s28+$0x0], $0xffff  }
0x94: {  	v9 =	vld.idx.msk [tilespmem:v9+s28+$0x0], $0xffff  }
0x95: {  	v8 =	vld.idx.msk [tilespmem:v8+s28+$0x0], $0xffff;
	_ =	sdelay $0x1  }
0x96: {  	v10 =	vld.idx.msk [tilespmem:v10+s28+$0x0], $0xffff  }
0x97: {  	v47 =	vor.u32 s19, v0;
	v11 =	vmul.u32 $0x83, v11;
	v12 =	vmul.u32 $0x1F, v12;
	v6 =	vld.idx.msk [tilespmem:v6+s28+$0x0], $0xffff  }
0x98: {  	v7 =	vmul.u32 $0x7, v7;
	v5 =	vmul.u32 $0x83, v5;
	v9 =	vmul.u32 $0x1F, v9  }
0x99: {  	v8 =	vmul.u32 $0x7, v8;
	v11 =	vadd.s32 v11, v12  }
0x9a: {  	v5 =	vadd.s32 v5, v9;
	v7 =	vadd.s32 v7, v11  }
0x9b: {  	v5 =	vadd.s32 v8, v5;
	v7 =	vadd.s32 v10, v7  }
0x9c: {  	v5 =	vadd.s32 v6, v5;
	[tilespmem:v47+s29+$0x0] =	vst.idx.msk $0xffff, v7;
	v6 =	vand.u32 $0x3FFF, v7  }
0x9d: {  	v5 =	vand.u32 $0x3FFF, v5;
	[tilespmem:v47+s30+$0x0] =	vst.idx.msk $0xffff, v6  }
0x9e: {  	s7 =	rddreg [dreg:$0x6];
	s19 =	simm.s32 $0x40;
	[tilespmem:v47+s31+$0x0] =	vst.idx.msk $0xffff, v5  }
0x9f: {  	[tilespmem:s8], [sflag:$0x1] =	stream.indirect.gather [hbm4b:s7+s19], $0x1, s30, s19, $0xb8;
	[tilespmem:$0xE980] =	vst v63  }
0xa0: {  	_ = 	snop  }
0xa1: {  	[tilespmem:s0], [sflag:$0x1] =	stream.indirect.gather [hbm4b:s7+s19], $0x1, s31, s19, $0xb8;
	[tilespmem:$0xE980] =	vst v63  }
0xa2: {  	s20 =	rddreg [dreg:$0x7]  }
0xa3: {  	[tilespmem:s9], [sflag:$0x1] =	stream.indirect.gather [hbm4b:s20+s19], $0x1, s30, s19, $0xb8;
	[tilespmem:$0xE980] =	vst v63  }
0xa4: {  	_ = 	snop  }
0xa5: {  	[tilespmem:s1], [sflag:$0x1] =	stream.indirect.gather [hbm4b:s20+s19], $0x1, s31, s19, $0xb8;
	[tilespmem:$0xE980] =	vst v63  }
0xa6: {  	s21 =	rddreg [dreg:$0x8]  }
0xa7: {  	[tilespmem:s2], [sflag:$0x1] =	stream.indirect.gather [hbm4b:s21+s19], $0x1, s30, s19, $0xb8;
	[tilespmem:$0xE980] =	vst v63  }
0xa8: {  	_ = 	snop  }
0xa9: {  	[tilespmem:s3], [sflag:$0x1] =	stream.indirect.gather [hbm4b:s21+s19], $0x1, s31, s19, $0xb8;
	[tilespmem:$0xE980] =	vst v63  }
0xaa: {  	s20 =	rddreg [dreg:$0x9]  }
0xab: {  	[tilespmem:s4], [sflag:$0x1] =	stream.indirect.gather [hbm4b:s20+s19], $0x1, s30, s19, $0xb8;
	[tilespmem:$0xE980] =	vst v63  }
0xac: {  	_ = 	snop  }
0xad: {  	[tilespmem:s5], [sflag:$0x1] =	stream.indirect.gather [hbm4b:s20+s19], $0x1, s31, s19, $0xb8;
	[tilespmem:$0xE980] =	vst v63  }
0xae: {  	s21 =	rddreg [dreg:$0xa]  }
0xaf: {  	[tilespmem:s6], [sflag:$0x1] =	stream.indirect.gather [hbm4b:s21+s19], $0x1, s30, s19, $0xb8;
	[tilespmem:$0xE980] =	vst v63  }
0xb0: {  	_ = 	snop  }
0xb1: {  	[tilespmem:s11], [sflag:$0x1] =	stream.indirect.gather [hbm4b:s21+s19], $0x1, s31, s19, $0xb8;
	[tilespmem:$0xE980] =	vst v63  }
0xb2: {  	s20 =	rddreg [dreg:$0xb]  }
0xb3: {  	[tilespmem:s12], [sflag:$0x1] =	stream.indirect.gather [hbm4b:s20+s19], $0x1, s30, s19, $0xb8;
	[tilespmem:$0xE980] =	vst v63  }
0xb4: {  	_ = 	snop  }
0xb5: {  	[tilespmem:s13], [sflag:$0x1] =	stream.indirect.gather [hbm4b:s20+s19], $0x1, s31, s19, $0xb8;
	[tilespmem:$0xE980] =	vst v63  }
0xb6: {  	_ =	swait.ge [sflag:s14], $0x40  }
0xb7: {  	[sflag:s14] =	ssyncset.done $0x0  }
0xb8: {  	[sflag:s14] =	ssyncadd.s32 $0xFFFFFFC0  }
0xb9: {  	_ =	swait.ge [sflag:s14], $0x40  }
0xba: {  	[sflag:s14] =	ssyncset.done $0x0  }
0xbb: {  	[sflag:s14] =	ssyncadd.s32 $0xFFFFFFC0  }
0xbc: {  	_ =	swait.ge [sflag:s14], $0x40  }
0xbd: {  	[sflag:s14] =	ssyncset.done $0x0  }
0xbe: {  	[sflag:s14] =	ssyncadd.s32 $0xFFFFFFC0  }
0xbf: {  	_ =	swait.ge [sflag:s14], $0x40  }
0xc0: {  	[sflag:s14] =	ssyncset.done $0x0  }
0xc1: {  	[sflag:s14] =	ssyncadd.s32 $0xFFFFFFC0  }
0xc2: {  	_ =	swait.ge [sflag:s14], $0x40  }
0xc3: {  	[sflag:s14] =	ssyncset.done $0x0  }
0xc4: {  	[sflag:s14] =	ssyncadd.s32 $0xFFFFFFC0  }
0xc5: {  	_ =	swait.ge [sflag:s14], $0x40  }
0xc6: {  	[sflag:s14] =	ssyncset.done $0x0  }
0xc7: {  	[sflag:s14] =	ssyncadd.s32 $0xFFFFFFC0  }
0xc8: {  	_ =	swait.ge [sflag:s14], $0x40  }
0xc9: {  	[sflag:s14] =	ssyncset.done $0x0  }
0xca: {  	[sflag:s14] =	ssyncadd.s32 $0xFFFFFFC0  }
0xcb: {  	_ =	swait.ge [sflag:s14], $0x40  }
0xcc: {  	[sflag:s14] =	ssyncset.done $0x0  }
0xcd: {  	[sflag:s14] =	ssyncadd.s32 $0xFFFFFFC0  }
0xce: {  	_ =	swait.ge [sflag:s14], $0x40  }
0xcf: {  	[sflag:s14] =	ssyncset.done $0x0  }
0xd0: {  	[sflag:s14] =	ssyncadd.s32 $0xFFFFFFC0  }
0xd1: {  	_ =	swait.ge [sflag:s14], $0x40  }
0xd2: {  	[sflag:s14] =	ssyncset.done $0x0  }
0xd3: {  	[sflag:s14] =	ssyncadd.s32 $0xFFFFFFC0  }
0xd4: {  	s21 =	simm.s32 $0x0;
	_ =	swait.ge [sflag:s14], $0x40  }
0xd5: {  	v5 =	vor.u32 s21, v0;
	[sflag:s14] =	ssyncset.done $0x0  }
0xd6: {  	[sflag:s14] =	ssyncadd.s32 $0xFFFFFFC0  }
0xd7: {  	_ =	swait.ge [sflag:s14], $0x40  }
0xd8: {  	[sflag:s14] =	ssyncset.done $0x0  }
0xd9: {  	[sflag:s14] =	ssyncadd.s32 $0xFFFFFFC0  }
0xda: {  	v6 =	vld.idx.msk [tilespmem:v5+s30+$0x0], $0xffff;
	_ =	sdelay $0x4  }
0xdb: {  	v6 =	vadd.s32 $0x1860, v6;
	_ =	sdelay $0x2  }
0xdc: {  	v7 =	vld.idx.msk [tilespmem:v5+s13+$0x0], $0xffff  }
0xdd: {  	v8 =	vld.idx.msk [tilespmem:v5+s29+$0x0], $0xffff  }
0xde: {  	v6 =	vld.idx.msk [tilespmem:v6+s28+$0x0], $0xffff  }
0xdf: {  	v48 =	vld.idx.msk [tilespmem:v5+s12+$0x0], $0xffff;
	_ =	sdelay $0x3  }
0xe0: {  	vm0 =	veq.s32 v6, v8  }
0xe1: {  	v6 =	vsel vm0, v48, v7  }
0xe2: {  	v6 =	vmul.f32 $4.000000000e+00, v6;
	_ =	sdelay $0x1  }
0xe3: {  	v7 =	vtrunc.f32 v6  }
0xe4: {  	v7 =	vcvt.f32.s32 v7;
	_ =	sdelay $0x1  }
0xe5: {  	v8 =	vcvt.s32.f32 v7;
	_ =	sdelay $0x1  }
0xe6: {  	v6 =	vsub.f32 v6, v8;
	_ =	sdelay $0x1  }
0xe7: {  	v6 =	vmul.f32 $1.570796370e+00, v6;
	_ =	sdelay $0x1  }
0xe8: {  	v8 =	vmul.f32 v6, v6;
	_ =	sdelay $0x1  }
0xe9: {  	v49 =	vmul.f32 $2.755731880e-06, v8  }
0xea: {  	v50 =	vmul.f32 $2.480158760e-05, v8  }
0xeb: {  	v9 =	vadd.f32 $-1.984127010e-04, v49  }
0xec: {  	v10 =	vadd.f32 $-1.388888920e-03, v50  }
0xed: {  	v9 =	vmul.f32 v9, v8  }
0xee: {  	v51 =	vld.idx.msk [tilespmem:v5+s3+$0x0], $0xffff;
	v10 =	vmul.f32 v10, v8  }
0xef: {  	s7 =	sor.u32 s16, s21;
	v52 =	vld.idx.msk [tilespmem:v5+s5+$0x0], $0xffff;
	v9 =	vadd.f32 $8.333333770e-03, v9  }
0xf0: {  	v16 =	vmov s7;
	v53 =	vld.idx.msk [tilespmem:v5+s0+$0x0], $0xffff;
	v10 =	vadd.f32 $4.166666790e-02, v10  }
0xf1: {  	v16 =	vshra.s32 v16, $0x5;
	v14 =	vld.idx.msk [tilespmem:v5+s1+$0x0], $0xffff;
	v9 =	vmul.f32 v9, v8  }
0xf2: {  	v16 =	vadd.s32 $0x1840, v16;
	v15 =	vld.idx.msk [tilespmem:v5+s9+$0x0], $0xffff;
	v10 =	vmul.f32 v10, v8  }
0xf3: {  	v16 =	vbroadcast v16, $0x0;
	v17 =	vld.idx.msk [tilespmem:v5+s8+$0x0], $0xffff;
	v9 =	vadd.f32 $-1.666666720e-01, v9  }
0xf4: {  	v20 =	vshll.u32 v5, $0x3;
	v18 =	vld.idx.msk [tilespmem:v5+s4+$0x0], $0xffff;
	v10 =	vadd.f32 $-5.000000000e-01, v10  }
0xf5: {  	v22 =	vor.u32 $0x1, v20;
	v19 =	vld.idx.msk [tilespmem:v5+s2+$0x0], $0xffff;
	v9 =	vmul.f32 v9, v8  }
0xf6: {  	v55 =	vor.u32 $0x2, v20;
	v56 =	vor.u32 $0x4, v20;
	v8 =	vmul.f32 v10, v8  }
0xf7: {  	v57 =	vor.u32 $0x3, v20;
	v59 =	vor.u32 $0x5, v20;
	v21 =	vld.idx.msk [tilespmem:v5+s11+$0x0], $0xffff;
	v9 =	vadd.f32 $1.000000000e+00, v9  }
0xf8: {  	v60 =	vor.u32 $0x6, v20;
	v54 =	vld.idx.msk [tilespmem:v5+s6+$0x0], $0xffff;
	v5 =	vand.u32 $0x1F, v5;
	v8 =	vadd.f32 $1.000000000e+00, v8  }
0xf9: {  	v16 =	vld.idx.msk [tilespmem:v16+s28+$0x0], $0xffff;
	v14 =	vsel vm0, v15, v14;
	v13 =	vsel vm0, v17, v53;
	v6 =	vmul.f32 v9, v6  }
0xfa: {  	v12 =	vsel vm0, v18, v52;
	v11 =	vsel vm0, v19, v51;
	v61 =	vsub.f32 $0.0e+00, v8  }
0xfb: {  	v14 =	vadd.f32 v14, v14;
	vm14 =	veq.s32 v7, $0x3;
	v62 =	vsub.f32 $0.0e+00, v6  }
0xfc: {  	[tilespmem:v20+s15+$0x0] =	vst.idx.msk $0xffff, v13;
	vm1 =	veq.s32 v7, $0x2;
	v63 =	vsel vm14, v6, v8;
	v6 =	vsel vm14, v61, v6  }
0xfd: {  	v12 =	vmul.f32 $3.141592740e+00, v12;
	[tilespmem:v22+s15+$0x0] =	vst.idx.msk $0xffff, v14;
	vm2 =	veq.s32 v7, $0x1;
	v6 =	vsel vm1, v62, v6  }
0xfe: {  	s19 =	simm.s32 $0x10;
	vm15 =	vlt.s32 v5, v16;
	[tilespmem:v55+s15+$0x0] =	vst.idx.msk $0xffff, v11;
	v8 =	vsel vm2, v8, v6;
	v6 =	vor.u32 $0x7, v20  }
0xff: {  	v5 =	vor.u32 s19, v0;
	v58 =	vsel vm0, v54, v21;
	[tilespmem:v57+s15+$0x0] =	vst.idx.msk $0xffff, v12;
	v7 =	vsel vm1, v61, v63  }
0x100: {  	[tilespmem:v56+s15+$0x0] =	vst.idx.msk $0xffff, v58;
	v7 =	vsel vm2, v62, v7  }
0x101: {  	[tilespmem:v59+s15+$0x0] =	vst.idx.msk $0xffff, v7  }
0x102: {  	s20 =	simm.s32 $0x20;
	v7 =	vsel vm15, $0x3F800000, v1;
	[tilespmem:v60+s15+$0x0] =	vst.idx.msk $0xffff, v8  }
.LBB3_4:
0x103: {  	p0 =	sne.s32 s20, $0x30;
	[tilespmem:v6+s15+$0x0] =	vst.idx.msk $0xffff, v7;
	s7 =	smov.u32 s20;
	s20 =	sadd.s32 $0x10, s20  }
0x104: {  	v6 =	vld.idx.msk [tilespmem:v5+s30+$0x0], $0xffff;
	_ =	sdelay $0x3  }
0x105: {  	v7 =	vld.idx.msk [tilespmem:v5+s3+$0x0], $0xffff  }
0x106: {  	v8 =	vld.idx.msk [tilespmem:v5+s5+$0x0], $0xffff  }
0x107: {  	v6 =	vadd.s32 $0x1860, v6;
	v9 =	vld.idx.msk [tilespmem:v5+s0+$0x0], $0xffff  }
0x108: {  	v10 =	vld.idx.msk [tilespmem:v5+s1+$0x0], $0xffff  }
0x109: {  	v11 =	vld.idx.msk [tilespmem:v5+s9+$0x0], $0xffff  }
0x10a: {  	s21 =	sor.u32 s16, s19;
	s19 =	smov.u32 s7;
	v12 =	vld.idx.msk [tilespmem:v5+s13+$0x0], $0xffff  }
0x10b: {  	v13 =	vmov s21;
	v14 =	vld.idx.msk [tilespmem:v5+s29+$0x0], $0xffff  }
0x10c: {  	v13 =	vshra.s32 v13, $0x5;
	v6 =	vld.idx.msk [tilespmem:v6+s28+$0x0], $0xffff  }
0x10d: {  	v13 =	vadd.s32 $0x1840, v13;
	v15 =	vld.idx.msk [tilespmem:v5+s12+$0x0], $0xffff  }
0x10e: {  	v13 =	vbroadcast v13, $0x0;
	v16 =	vld.idx.msk [tilespmem:v5+s8+$0x0], $0xffff  }
0x10f: {  	v17 =	vld.idx.msk [tilespmem:v5+s4+$0x0], $0xffff  }
0x110: {  	v19 =	vshll.u32 v5, $0x3;
	v18 =	vld.idx.msk [tilespmem:v5+s2+$0x0], $0xffff  }
0x111: {  	v21 =	vor.u32 $0x1, v19;
	v20 =	vld.idx.msk [tilespmem:v5+s11+$0x0], $0xffff  }
0x112: {  	v22 =	vor.u32 $0x4, v19;
	vm0 =	veq.s32 v6, v14;
	v14 =	vor.u32 $0x2, v19;
	v6 =	vld.idx.msk [tilespmem:v5+s6+$0x0], $0xffff  }
0x113: {  	v10 =	vsel vm0, v11, v10;
	v11 =	vsel vm0, v15, v12;
	v12 =	vor.u32 $0x3, v19  }
0x114: {  	v9 =	vsel vm0, v16, v9;
	v11 =	vmul.f32 $4.000000000e+00, v11;
	v10 =	vadd.f32 v10, v10;
	v13 =	vld.idx.msk [tilespmem:v13+s28+$0x0], $0xffff  }
0x115: {  	v8 =	vsel vm0, v17, v8;
	[tilespmem:v19+s15+$0x0] =	vst.idx.msk $0xffff, v9  }
0x116: {  	v7 =	vsel vm0, v18, v7;
	v9 =	vtrunc.f32 v11;
	v8 =	vmul.f32 $3.141592740e+00, v8;
	[tilespmem:v21+s15+$0x0] =	vst.idx.msk $0xffff, v10  }
0x117: {  	v9 =	vcvt.f32.s32 v9;
	[tilespmem:v14+s15+$0x0] =	vst.idx.msk $0xffff, v7  }
0x118: {  	v6 =	vsel vm0, v6, v20;
	[tilespmem:v12+s15+$0x0] =	vst.idx.msk $0xffff, v8  }
0x119: {  	v5 =	vand.u32 $0x1F, v5;
	v7 =	vcvt.s32.f32 v9;
	[tilespmem:v22+s15+$0x0] =	vst.idx.msk $0xffff, v6  }
0x11a: {  	vm0 =	vlt.s32 v5, v13  }
0x11b: {  	v5 =	vsub.f32 v11, v7;
	_ =	sdelay $0x1  }
0x11c: {  	v5 =	vmul.f32 $1.570796370e+00, v5;
	_ =	sdelay $0x1  }
0x11d: {  	v6 =	vmul.f32 v5, v5;
	_ =	sdelay $0x1  }
0x11e: {  	v7 =	vmul.f32 $2.480158760e-05, v6;
	v8 =	vmul.f32 $2.755731880e-06, v6;
	_ =	sdelay $0x1  }
0x11f: {  	v7 =	vadd.f32 $-1.388888920e-03, v7;
	v8 =	vadd.f32 $-1.984127010e-04, v8;
	_ =	sdelay $0x1  }
0x120: {  	v7 =	vmul.f32 v7, v6;
	v8 =	vmul.f32 v8, v6;
	_ =	sdelay $0x1  }
0x121: {  	v7 =	vadd.f32 $4.166666790e-02, v7;
	v8 =	vadd.f32 $8.333333770e-03, v8;
	_ =	sdelay $0x1  }
0x122: {  	v7 =	vmul.f32 v7, v6;
	v8 =	vmul.f32 v8, v6;
	_ =	sdelay $0x1  }
0x123: {  	v7 =	vadd.f32 $-5.000000000e-01, v7;
	v8 =	vadd.f32 $-1.666666720e-01, v8;
	_ =	sdelay $0x1  }
0x124: {  	v7 =	vmul.f32 v7, v6;
	v6 =	vmul.f32 v8, v6;
	_ =	sdelay $0x1  }
0x125: {  	v8 =	vadd.f32 $1.000000000e+00, v6  }
0x126: {  	v7 =	vadd.f32 $1.000000000e+00, v7;
	v6 =	vor.u32 $0x7, v19  }
0x127: {  	v10 =	vor.u32 $0x5, v19;
	v11 =	vor.u32 $0x6, v19;
	v8 =	vmul.f32 v8, v5  }
0x128: {  	vm1 =	veq.s32 v9, $0x1;
	vm2 =	veq.s32 v9, $0x3;
	v12 =	vsub.f32 $0.0e+00, v7  }
.Ltmp1:
0x129: {  	vm3 =	veq.s32 v9, $0x2;
	v9 =	vsub.f32 $0.0e+00, v8;
	v13 =	vsel vm2, v8, v7;
	(pc) =	sbr.rel @p0 .LBB3_4-.Ltmp1, $4  }
0x12a: {  	v5 =	vor.u32 s19, v0;
	v8 =	vsel vm2, v12, v8;
	v13 =	vsel vm3, v12, v13  }
0x12b: {  	v12 =	vsel vm1, v9, v13;
	v8 =	vsel vm3, v9, v8  }
0x12c: {  	v8 =	vsel vm1, v7, v8;
	[tilespmem:v10+s15+$0x0] =	vst.idx.msk $0xffff, v12  }
0x12d: {  	v7 =	vsel vm0, $0x3F800000, v1;
	[tilespmem:v11+s15+$0x0] =	vst.idx.msk $0xffff, v8  }
0x12e: {  	_ =	sdelay $0x3  }
0x12f: {  	[tilespmem:v6+s15+$0x0] =	vst.idx.msk $0xffff, v7  }
0x130: {  	v6 =	vld.idx.msk [tilespmem:v5+s30+$0x0], $0xffff;
	_ =	sdelay $0x4  }
0x131: {  	v6 =	vadd.s32 $0x1860, v6;
	_ =	sdelay $0x2  }
0x132: {  	v7 =	vld.idx.msk [tilespmem:v5+s13+$0x0], $0xffff  }
0x133: {  	v8 =	vld.idx.msk [tilespmem:v5+s29+$0x0], $0xffff  }
0x134: {  	v6 =	vld.idx.msk [tilespmem:v6+s28+$0x0], $0xffff  }
0x135: {  	v9 =	vld.idx.msk [tilespmem:v5+s12+$0x0], $0xffff;
	_ =	sdelay $0x3  }
0x136: {  	vm0 =	veq.s32 v6, v8  }
0x137: {  	v6 =	vsel vm0, v9, v7  }
0x138: {  	v6 =	vmul.f32 $4.000000000e+00, v6;
	_ =	sdelay $0x1  }
0x139: {  	v7 =	vtrunc.f32 v6  }
0x13a: {  	v7 =	vcvt.f32.s32 v7;
	_ =	sdelay $0x1  }
0x13b: {  	v8 =	vcvt.s32.f32 v7;
	_ =	sdelay $0x1  }
0x13c: {  	v6 =	vsub.f32 v6, v8;
	_ =	sdelay $0x1  }
0x13d: {  	v6 =	vmul.f32 $1.570796370e+00, v6;
	_ =	sdelay $0x1  }
0x13e: {  	v8 =	vmul.f32 v6, v6;
	_ =	sdelay $0x1  }
0x13f: {  	v9 =	vmul.f32 $2.755731880e-06, v8  }
0x140: {  	v11 =	vmul.f32 $2.480158760e-05, v8  }
0x141: {  	v10 =	vld.idx.msk [tilespmem:v5+s3+$0x0], $0xffff;
	v9 =	vadd.f32 $-1.984127010e-04, v9  }
0x142: {  	v12 =	vld.idx.msk [tilespmem:v5+s5+$0x0], $0xffff;
	v11 =	vadd.f32 $-1.388888920e-03, v11  }
0x143: {  	v13 =	vld.idx.msk [tilespmem:v5+s0+$0x0], $0xffff;
	v9 =	vmul.f32 v9, v8  }
0x144: {  	s7 =	sor.u32 s16, s19;
	v14 =	vld.idx.msk [tilespmem:v5+s1+$0x0], $0xffff;
	v11 =	vmul.f32 v11, v8  }
0x145: {  	v15 =	vld.idx.msk [tilespmem:v5+s9+$0x0], $0xffff;
	v16 =	vmov s7;
	v9 =	vadd.f32 $8.333333770e-03, v9  }
0x146: {  	v17 =	vld.idx.msk [tilespmem:v5+s8+$0x0], $0xffff;
	v16 =	vshra.s32 v16, $0x5;
	v11 =	vadd.f32 $4.166666790e-02, v11  }
0x147: {  	v19 =	vld.idx.msk [tilespmem:v5+s2+$0x0], $0xffff;
	v16 =	vadd.s32 $0x1840, v16;
	v9 =	vmul.f32 v9, v8  }
0x148: {  	v20 =	vshll.u32 v5, $0x3;
	v18 =	vld.idx.msk [tilespmem:v5+s4+$0x0], $0xffff;
	v16 =	vbroadcast v16, $0x0;
	v11 =	vmul.f32 v11, v8  }
0x149: {  	v21 =	vld.idx.msk [tilespmem:v5+s11+$0x0], $0xffff;
	v22 =	vor.u32 $0x1, v20;
	v9 =	vadd.f32 $-1.666666720e-01, v9  }
0x14a: {  	v23 =	vld.idx.msk [tilespmem:v5+s6+$0x0], $0xffff;
	v24 =	vor.u32 $0x2, v20;
	v25 =	vor.u32 $0x4, v20;
	v11 =	vadd.f32 $-5.000000000e-01, v11  }
0x14b: {  	v14 =	vsel vm0, v15, v14;
	v15 =	vor.u32 $0x3, v20;
	v9 =	vmul.f32 v9, v8  }
0x14c: {  	v13 =	vsel vm0, v17, v13;
	v10 =	vsel vm0, v19, v10;
	v8 =	vmul.f32 v11, v8  }
0x14d: {  	v14 =	vadd.f32 v14, v14;
	vm13 =	veq.s32 v7, $0x3;
	v9 =	vadd.f32 $1.000000000e+00, v9  }
0x14e: {  	vm1 =	veq.s32 v7, $0x2;
	v11 =	vsel vm0, v18, v12;
	v12 =	vld.idx.msk [tilespmem:v16+s28+$0x0], $0xffff;
	v8 =	vadd.f32 $1.000000000e+00, v8  }
0x14f: {  	v16 =	vsel vm0, v23, v21;
	[tilespmem:v20+s15+$0x0] =	vst.idx.msk $0xffff, v13;
	v6 =	vmul.f32 v9, v6;
	v9 =	vor.u32 $0x5, v20  }
0x150: {  	v11 =	vmul.f32 $3.141592740e+00, v11;
	[tilespmem:v22+s15+$0x0] =	vst.idx.msk $0xffff, v14;
	v14 =	vor.u32 $0x6, v20;
	v17 =	vsub.f32 $0.0e+00, v8  }
0x151: {  	v13 =	vor.u32 $0x7, v20;
	[tilespmem:v24+s15+$0x0] =	vst.idx.msk $0xffff, v10;
	v10 =	vsub.f32 $0.0e+00, v6;
	v18 =	vsel vm13, v6, v8  }
0x152: {  	vm2 =	veq.s32 v7, $0x1;
	[tilespmem:v15+s15+$0x0] =	vst.idx.msk $0xffff, v11;
	v6 =	vsel vm13, v17, v6;
	v7 =	vsel vm1, v17, v18  }
0x153: {  	v5 =	vand.u32 $0x1F, v5;
	[tilespmem:v25+s15+$0x0] =	vst.idx.msk $0xffff, v16;
	v7 =	vsel vm2, v10, v7;
	v6 =	vsel vm1, v10, v6  }
0x154: {  	vm14 =	vlt.s32 v5, v12;
	v5 =	vsel vm2, v8, v6;
	[tilespmem:v9+s15+$0x0] =	vst.idx.msk $0xffff, v7  }
0x155: {  	v6 =	vsel vm14, $0x3F800000, v1;
	[tilespmem:v14+s15+$0x0] =	vst.idx.msk $0xffff, v5  }
0x156: {  	s21 =	rddreg [dreg:$0x14];
	[tilespmem:v13+s15+$0x0] =	vst.idx.msk $0xffff, v6  }
0x157: {  	[spmem:s21] =	stream.linear.scatter [tilespmem:s15], [sflag:$0x2], $0x200, $0x38;
	[tilespmem:$0xE980] =	vst v63  }
0x158: {  	_ =	swait.ge [sflag:s22], $0x200  }
0x159: {  	[sflag:s22] =	ssyncset.done $0x0  }
0x15a: {  	[sflag:s22] =	ssyncadd.s32 $0xFFFFFE00  }
0x15b: {  	s19 =	simm.s32 $0x0;
	[bflag:$0x0] =	sbarrier.arrive $0xFFFF  }
0x15c: {  	v5 =	vmov s19;
	s20 =	rddreg [dreg:$0xd]  }
0x15d: {  	[tilespmem:s17], [sflag:$0x2] =	stream.linear.gather [spmem:s20], $0x2000, $0x38;
	[tilespmem:$0xE980] =	vst v63  }
0x15e: {  	_ =	swait.ge [sflag:s22], $0x2000  }
0x15f: {  	[sflag:s22] =	ssyncset.done $0x0  }
0x160: {  	[sflag:s22] =	ssyncadd.s32 $0xFFFFE000  }
0x161: {  	v6 =	vld.idx.msk [tilespmem:v5+s25+$0x0], $0xffff;
	_ =	sdelay $0x3  }
0x162: {  	s19 =	simm.s32 $0x0  }
0x163: {  	s21 =	sand.u32 $0x10, s19;
	v6 =	vshll.u32 v6, $0x5  }
0x164: {  	v7 =	vor.u32 s21, v6  }
0x165: {  	v8 =	vadd.s32 v2, v7;
	_ =	sdelay $0x2  }
0x166: {  	v9 =	vadd.s32 v3, v7  }
0x167: {  	v11 =	vor.u32 v0, v7  }
0x168: {  	v6 =	vand.u32 $0xFFFFFF80, v6;
	v10 =	vand.u32 $0x7F, v11;
	v8 =	vld.idx.msk [tilespmem:v8+s28+$0x0], $0xffff  }
0x169: {  	v6 =	vor.u32 v6, v10;
	_ =	sdelay $0x1  }
0x16a: {  	v9 =	vld.idx.msk [tilespmem:v9+s28+$0x0], $0xffff  }
0x16b: {  	v5 =	vshll.u32 v5, $0x5;
	v17 =	vadd.s32 v4, v7  }
0x16c: {  	v8 =	vadd.s32 v5, v8  }
0x16d: {  	v6 =	vld.idx.msk [tilespmem:v6+s28+$0x0], $0xffff;
	_ =	sdelay $0x1  }
0x16e: {  	v9 =	vadd.s32 v5, v9  }
0x16f: {  	v17 =	vld.idx.msk [tilespmem:v17+s28+$0x0], $0xffff  }
0x170: {  	v12 =	vld.idx.msk [tilespmem:v8+s24+$0x0], $0xffff  }
0x171: {  	v6 =	vadd.s32 v5, v6;
	v13 =	vld.idx.msk [tilespmem:v8+s23+$0x0], $0xffff  }
0x172: {  	v8 =	vld.idx.msk [tilespmem:v8+s19+$0x0], $0xffff  }
0x173: {  	v14 =	vld.idx.msk [tilespmem:v9+s24+$0x0], $0xffff  }
0x174: {  	v15 =	vld.idx.msk [tilespmem:v9+s23+$0x0], $0xffff  }
0x175: {  	v9 =	vld.idx.msk [tilespmem:v9+s19+$0x0], $0xffff  }
0x176: {  	v16 =	vld.idx.msk [tilespmem:v6+s19+$0x0], $0xffff  }
0x177: {  	v18 =	vld.idx.msk [tilespmem:v6+s23+$0x0], $0xffff  }
0x178: {  	v19 =	vld.idx.msk [tilespmem:v6+s24+$0x0], $0xffff;
	_ =	sdelay $0x1  }
0x179: {  	v6 =	vsub.f32 v15, v13;
	v10 =	vsub.f32 v9, v8  }
0x17a: {  	v17 =	vadd.s32 v5, v17;
	v7 =	vsub.f32 v14, v12;
	v20 =	vsub.f32 v16, v8  }
0x17b: {  	v21 =	vmul.f32 v6, v6;
	v22 =	vsub.f32 v18, v13;
	v23 =	vmul.f32 v10, v10  }
0x17c: {  	v24 =	vsub.f32 v19, v12;
	v25 =	vmul.f32 v20, v20  }
0x17d: {  	v21 =	vadd.f32 v21, v23;
	v23 =	vmul.f32 v7, v7;
	v26 =	vmul.f32 v22, v22;
	_ =	sdelay $0x1  }
0x17e: {  	v27 =	vmul.f32 v24, v24;
	v21 =	vadd.f32 v23, v21;
	v23 =	vadd.f32 v26, v25  }
0x17f: {  	v29 =	vld.idx.msk [tilespmem:v17+s19+$0x0], $0xffff  }
0x180: {  	v5 =	vshra.s32 v21, $0x1;
	v25 =	vmul.f32 $5.000000000e-01, v21;
	v23 =	vadd.f32 v27, v23  }
0x181: {  	v26 =	vsub.s32 $0x5F3759DF, v5  }
0x182: {  	v27 =	vadd.f32 $9.999999970e-07, v21;
	v28 =	vmul.f32 v26, v25;
	v23 =	vadd.f32 $9.999999970e-07, v23;
	_ =	sdelay $0x1  }
0x183: {  	v9 =	vsub.f32 v29, v9;
	v28 =	vmul.f32 v26, v28;
	v23 =	vmul.f32 v27, v23  }
0x184: {  	v8 =	vsub.f32 v8, v16;
	v22 =	vmul.f32 v6, v22;
	v20 =	vmul.f32 v10, v20  }
0x185: {  	v28 =	vsub.f32 $1.500000000e+00, v28;
	v30 =	vshra.s32 v23, $0x1;
	v23 =	vmul.f32 $5.000000000e-01, v23  }
0x186: {  	v13 =	vsub.f32 v13, v18;
	v16 =	vmul.f32 v7, v24;
	v27 =	vld.idx.msk [tilespmem:v17+s23+$0x0], $0xffff;
	v24 =	vsub.s32 $0x5F3759DF, v30  }
0x187: {  	v20 =	vadd.f32 v22, v20;
	v22 =	vmul.f32 v26, v28;
	v26 =	vmul.f32 v24, v23  }
0x188: {  	v12 =	vsub.f32 v12, v19;
	v19 =	vmul.f32 v8, v8;
	v29 =	vmul.f32 v7, v13;
	v17 =	vld.idx.msk [tilespmem:v17+s24+$0x0], $0xffff  }
0x189: {  	v18 =	vmul.f32 v22, v25;
	v25 =	vmul.f32 v24, v26  }
0x18a: {  	v11 =	vshll.u32 v11, $0x3;
	v32 =	vmul.f32 v6, v12;
	v26 =	vmul.f32 v13, v13  }
0x18b: {  	v15 =	vsub.f32 v27, v15;
	v27 =	vmul.f32 v10, v13;
	v13 =	vsub.f32 $1.500000000e+00, v25  }
0x18c: {  	v28 =	vmul.f32 v7, v8;
	v19 =	vadd.f32 v26, v19;
	v25 =	vmul.f32 v12, v12  }
0x18d: {  	v26 =	vmul.f32 v6, v8;
	v8 =	vsub.f32 v17, v14;
	v17 =	vmul.f32 v24, v13  }
0x18e: {  	s20 =	simm.s32 $0x0;
	v16 =	vadd.f32 v16, v20;
	v30 =	vmul.f32 v10, v12;
	v13 =	vadd.f32 v25, v19  }
0x18f: {  	v18 =	vmul.f32 v18, v22;
	v25 =	vmov s20;
	v14 =	vmul.f32 v17, v23  }
0x190: {  	v28 =	vsub.f32 v30, v28;
	v38 =	vmul.f32 v15, v7;
	v31 =	vadd.f32 $9.999999970e-07, v13  }
0x191: {  	v24 =	vmul.f32 v15, v10;
	v18 =	vsub.f32 $1.500000000e+00, v18;
	v12 =	vmul.f32 v14, v17  }
0x192: {  	v33 =	vmul.f32 v8, v10;
	v14 =	vshra.s32 v31, $0x1;
	v34 =	vmul.f32 $5.000000000e-01, v31  }
0x193: {  	v36 =	vmul.f32 v8, v6;
	v35 =	vsub.s32 $0x5F3759DF, v14;
	v12 =	vsub.f32 $1.500000000e+00, v12  }
0x194: {  	v19 =	vor.u32 $0x1, v11;
	v23 =	vmul.f32 v9, v6;
	v37 =	vld.idx.msk [tilespmem:v25+s25+$0x0], $0xffff;
	v8 =	vmul.f32 v35, v34  }
0x195: {  	v15 =	vor.u32 $0x5, v11;
	v18 =	vmul.f32 v18, v22;
	v17 =	vmul.f32 v12, v17  }
0x196: {  	v13 =	vor.u32 $0x3, v11;
	v22 =	vmul.f32 v9, v7;
	v20 =	vmul.f32 v35, v8  }
0x197: {  	v36 =	vsub.f32 v36, v38;
	v16 =	vmul.f32 v17, v16;
	v17 =	vmul.f32 v18, v21  }
0x198: {  	s20 =	simm.s32 $0x10;
	v9 =	vor.u32 $0x4, v11;
	v22 =	vsub.f32 v22, v33;
	v18 =	vsub.f32 $1.500000000e+00, v20  }
0x199: {  	s21 =	sand.u32 $0x10, s20;
	v23 =	vsub.f32 v24, v23;
	v20 =	vshll.u32 v37, $0x5;
	v17 =	vadd.f32 $9.999999970e-07, v17  }
0x19a: {  	v21 =	vor.u32 s21, v20;
	v16 =	vmax.f32 v16, $-9.999989860e-01;
	v18 =	vmul.f32 v35, v18  }
0x19b: {  	v52 =	vor.u32 v0, v21;
	v53 =	vadd.s32 v2, v21;
	(erf) = vrcp.f32 v17  }
0x19c: {  	v16 =	vmin.f32 v16, $9.999989860e-01;
	v17 =	vand.u32 $0xFFFFFF80, v20;
	v20 =	vand.u32 $0x7F, v52  }
0x19d: {  	v54 =	vand.u32 $0x7FFFFFFF, v16;
	v17 =	vor.u32 v17, v20;
	v20 =	vmul.f32 v18, v34  }
0x19e: {  	v39 =	vadd.s32 v3, v21;
	v40 =	vmul.f32 $-1.262491100e-03, v54;
	v41 =	vsub.f32 $1.000000000e+00, v54  }
0x19f: {  	v14 =	vor.u32 $0x2, v11;
	v25 =	vshll.u32 v25, $0x5;
	v20 =	vmul.f32 v20, v18  }
0x1a0: {  	v30 =	vadd.f32 $6.670089900e-03, v40;
	v55 =	vshra.s32 v41, $0x1;
	v56 =	vmul.f32 $5.000000000e-01, v41  }
0x1a1: {  	v42 =	vmul.f32 v22, v28;
	v37 =	vld.idx.msk [tilespmem:v53+s28+$0x0], $0xffff;
	v33 =	vsub.s32 $0x5F3759DF, v55;
	v20 =	vsub.f32 $1.500000000e+00, v20  }
0x1a2: {  	v12 =	vor.u32 $0x6, v11;
	v30 =	vmul.f32 v30, v54;
	v43 =	vmul.f32 v33, v56  }
0x1a3: {  	v8 =	vor.u32 $0x7, v11;
	v39 =	vld.idx.msk [tilespmem:v39+s28+$0x0], $0xffff;
	v18 =	vmul.f32 v20, v18;
	v20 =	vsub.f32 v26, v27  }
0x1a4: {  	v17 =	vld.idx.msk [tilespmem:v17+s28+$0x0], $0xffff;
	v24 =	vadd.f32 $-1.708812640e-02, v30;
	v26 =	vmul.f32 v33, v43;
	v27 =	vsub.f32 v29, v32;
	v29 =	vpop (erf)  }
0x1a5: {  	v21 =	vadd.s32 v4, v21;
	v30 =	vmul.f32 v23, v20;
	v10 =	vmul.f32 v29, v10  }
0x1a6: {  	v57 =	vadd.s32 v25, v37;
	v24 =	vmul.f32 v24, v54;
	v7 =	vmul.f32 v29, v7  }
0x1a7: {  	v26 =	vsub.f32 $1.500000000e+00, v26;
	v6 =	vmul.f32 v29, v6;
	v58 =	vmul.f32 v10, v20  }
0x1a8: {  	v19 =	vld.idx.msk [tilespmem:v19+s17+$0x0], $0xffff;
	v29 =	vadd.s32 v25, v39;
	v59 =	vmul.f32 v7, v28;
	v7 =	vmul.f32 v7, v27  }
0x1a9: {  	v11 =	vld.idx.msk [tilespmem:v11+s17+$0x0], $0xffff;
	v17 =	vadd.s32 v25, v17;
	v20 =	vmul.f32 v6, v20;
	v10 =	vmul.f32 v10, v28  }
0x1aa: {  	v21 =	vld.idx.msk [tilespmem:v21+s28+$0x0], $0xffff;
	v24 =	vadd.f32 $3.089188040e-02, v24;
	v6 =	vmul.f32 v6, v27;
	v27 =	vmul.f32 v36, v27  }
0x1ab: {  	v18 =	vmul.f32 v18, v31;
	v28 =	vld.idx.msk [tilespmem:v57+s24+$0x0], $0xffff;
	v7 =	vsub.f32 v58, v7;
	v20 =	vsub.f32 v59, v20  }
0x1ac: {  	v24 =	vmul.f32 v24, v54;
	v6 =	vsub.f32 v6, v10;
	v10 =	vadd.f32 v42, v27;
	v27 =	vld.idx.msk [tilespmem:v57+s23+$0x0], $0xffff  }
0x1ad: {  	v18 =	vsub.f32 v18, v19;
	v19 =	vld.idx.msk [tilespmem:v29+s23+$0x0], $0xffff;
	v7 =	vmul.f32 v7, v22  }
0x1ae: {  	v22 =	vadd.f32 $-5.017430340e-02, v24;
	v24 =	vmul.f32 v33, v26;
	v20 =	vmul.f32 v20, v36;
	v33 =	vld.idx.msk [tilespmem:v17+s24+$0x0], $0xffff  }
0x1af: {  	v6 =	vmul.f32 v6, v23;
	v10 =	vadd.f32 v10, v30;
	v23 =	vld.idx.msk [tilespmem:v57+s19+$0x0], $0xffff  }
0x1b0: {  	v61 =	vld.idx.msk [tilespmem:v17+s23+$0x0], $0xffff;
	v22 =	vmul.f32 v22, v54;
	v26 =	vmul.f32 v24, v56;
	v7 =	vadd.f32 v7, v20  }
0x1b1: {  	vm15 =	vge.f32 v16, $0.0e+00;
	v21 =	vadd.s32 v25, v21;
	v30 =	vld.idx.msk [tilespmem:v29+s24+$0x0], $0xffff;
	v10 =	vadd.f32 $9.999999970e-07, v10  }
0x1b2: {  	v31 =	vld.idx.msk [tilespmem:v17+s19+$0x0], $0xffff;
	v20 =	vadd.f32 $8.897899090e-02, v22;
	v22 =	vmul.f32 v26, v24;
	v25 =	vadd.f32 v7, v6  }
0x1b3: {  	v26 =	vld.idx.msk [tilespmem:v29+s19+$0x0], $0xffff;
	v6 =	vshll.u32 v52, $0x3;
	v29 =	vmul.f32 v10, v10;
	v17 =	vadd.f32 v10, v10  }
0x1b4: {  	v7 =	vmul.f32 v18, v11;
	v10 =	vsub.f32 v19, v27;
	v60 =	vsub.f32 v33, v28  }
0x1b5: {  	v45 =	vsub.f32 v61, v27;
	v56 =	vsub.f32 v27, v61;
	v11 =	vmul.f32 v20, v54  }
0x1b6: {  	v20 =	vsub.f32 $1.500000000e+00, v22;
	v22 =	vmul.f32 v25, v25;
	v18 =	vmul.f32 v7, v18  }
0x1b7: {  	v7 =	vsub.f32 v30, v28;
	v63 =	vmul.f32 v25, v17;
	v25 =	vsub.f32 v31, v23  }
0x1b8: {  	v44 =	vmul.f32 v10, v10;
	v48 =	vmul.f32 v45, v45;
	v62 =	vadd.f32 $-2.145988050e-01, v11  }
0x1b9: {  	v16 =	vld.idx.msk [tilespmem:v21+s19+$0x0], $0xffff;
	v20 =	vmul.f32 v20, v24;
	v24 =	vadd.f32 v22, v29;
	v11 =	vsub.f32 v26, v23  }
0x1ba: {  	v50 =	vmul.f32 v10, v45;
	v47 =	vmul.f32 v7, v7;
	v29 =	vsub.f32 v29, v22  }
0x1bb: {  	v17 =	vmul.f32 v62, v54;
	v24 =	vadd.f32 $1.000000000e-30, v24;
	v46 =	vmul.f32 v11, v11  }
0x1bc: {  	v23 =	vsub.f32 v23, v31;
	v31 =	vmul.f32 v25, v25;
	v20 =	vmul.f32 v20, v41  }
0x1bd: {  	v17 =	vadd.f32 $1.570796250e+00, v17;
	(erf) = vrcp.f32 v24;
	v34 =	vadd.f32 v44, v46  }
0x1be: {  	v13 =	vld.idx.msk [tilespmem:v13+s17+$0x0], $0xffff;
	v22 =	vsub.f32 v16, v26;
	v31 =	vadd.f32 v48, v31;
	v24 =	vmul.f32 v60, v60  }
0x1bf: {  	v55 =	vld.idx.msk [tilespmem:v15+s17+$0x0], $0xffff;
	v62 =	vmul.f32 v56, v56;
	v49 =	vmul.f32 v17, v20;
	v17 =	vadd.f32 v47, v34  }
0x1c0: {  	v54 =	vld.idx.msk [tilespmem:v14+s17+$0x0], $0xffff;
	v25 =	vmul.f32 v11, v25;
	v15 =	vmul.f32 v7, v23;
	v14 =	vadd.f32 v24, v31  }
0x1c1: {  	v52 =	vld.idx.msk [tilespmem:v21+s23+$0x0], $0xffff;
	v51 =	vsub.f32 $3.141592740e+00, v49;
	v38 =	vshra.s32 v17, $0x1;
	v53 =	vmul.f32 $5.000000000e-01, v17  }
0x1c2: {  	v14 =	vadd.f32 $9.999999970e-07, v14;
	v31 =	vadd.f32 $9.999999970e-07, v17;
	v38 =	vsub.s32 $0x5F3759DF, v38  }
0x1c3: {  	v61 =	vmul.f32 v23, v23;
	v24 =	vadd.f32 v50, v25;
	v25 =	vmul.f32 v38, v53  }
0x1c4: {  	v20 =	vmul.f32 v7, v60;
	v32 =	vsel vm15, v49, v51;
	v26 =	vmul.f32 v31, v14  }
0x1c5: {  	v12 =	vld.idx.msk [tilespmem:v12+s17+$0x0], $0xffff;
	v13 =	vsub.f32 v32, v13;
	v14 =	vmul.f32 v11, v56;
	v16 =	vmul.f32 v38, v25  }
0x1c6: {  	v31 =	vld.idx.msk [tilespmem:v21+s24+$0x0], $0xffff;
	v57 =	vpop (erf);
	v25 =	vsub.f32 v52, v19;
	v21 =	vshra.s32 v26, $0x1;
	v19 =	vmul.f32 $5.000000000e-01, v26  }
0x1c7: {  	v27 =	vmul.f32 v57, v29;
	v29 =	vmul.f32 v13, v54;
	v16 =	vsub.f32 $1.500000000e+00, v16  }
0x1c8: {  	v26 =	vsub.s32 $0x5F3759DF, v21;
	v32 =	vmul.f32 v57, v63;
	v21 =	vmul.f32 v10, v23  }
0x1c9: {  	v5 =	vimm.f32 $0.0e+00;
	v58 =	vmul.f32 v27, v55;
	v27 =	vmul.f32 v38, v16  }
0x1ca: {  	v59 =	vld.idx.msk [tilespmem:v9+s17+$0x0], $0xffff;
	v28 =	vsub.f32 v28, v33;
	v9 =	vmul.f32 v26, v19;
	v13 =	vmul.f32 v29, v13  }
0x1cb: {  	v12 =	vmul.f32 v32, v12;
	v29 =	vadd.f32 $1.000000000e+00, v58;
	v60 =	vmul.f32 v27, v53  }
0x1cc: {  	v23 =	vmul.f32 v25, v11;
	v13 =	vadd.f32 v13, v18;
	v18 =	vmul.f32 v26, v9  }
0x1cd: {  	v9 =	vsub.f32 v31, v30;
	v63 =	vadd.f32 v29, v12;
	v31 =	vmul.f32 v60, v27  }
0x1ce: {  	v16 =	vmul.f32 v7, v56;
	v30 =	vsub.f32 $1.500000000e+00, v18;
	v12 =	vld.idx.msk [tilespmem:v8+s17+$0x0], $0xffff;
	v8 =	vadd.f32 v62, v61  }
0x1cf: {  	s21 =	simm.s32 $0x2;
	v18 =	vmul.f32 v63, v59;
	v29 =	vsub.f32 $1.500000000e+00, v31;
	v31 =	vmul.f32 v28, v28  }
.LBB3_6:
0x1d0: {  	s7 =	sshrl.u32 s21, $0x1;
	p0 =	sne.s32 s21, $0x1FF;
	s21 =	sadd.s32 $0x1, s21;
	v32 =	vor.u32 $0x1, v6;
	v30 =	vmul.f32 v26, v30;
	v33 =	vmul.f32 v22, v10  }
0x1d1: {  	v34 =	vmov s7;
	v8 =	vadd.f32 v31, v8;
	v18 =	vadd.f32 v13, v18  }
0x1d2: {  	v13 =	vor.u32 $0x3, v6;
	v31 =	vmul.f32 v11, v28;
	v19 =	vmul.f32 v30, v19  }
0x1d3: {  	v28 =	vmul.f32 v10, v28;
	v26 =	vadd.f32 $9.999999970e-07, v8;
	v8 =	vmul.f32 v18, v12  }
0x1d4: {  	v35 =	vmul.f32 v9, v11;
	v12 =	vor.u32 $0x2, v6;
	v18 =	vmul.f32 v19, v30  }
0x1d5: {  	v19 =	vshra.s32 v26, $0x1;
	v36 =	vmul.f32 $5.000000000e-01, v26;
	v5 =	vadd.f32 v8, v5  }
0x1d6: {  	v39 =	vmul.f32 v9, v10;
	v37 =	vld.idx.msk [tilespmem:v34+s25+$0x0], $0xffff;
	v38 =	vsub.s32 $0x5F3759DF, v19;
	v8 =	vsub.f32 $1.500000000e+00, v18  }
0x1d7: {  	v25 =	vmul.f32 v25, v7;
	v19 =	vor.u32 $0x5, v6;
	v9 =	vmul.f32 v38, v36  }
0x1d8: {  	v20 =	vadd.f32 v20, v24;
	v24 =	vmul.f32 v29, v27;
	v8 =	vmul.f32 v8, v30  }
0x1d9: {  	v22 =	vmul.f32 v22, v7;
	v18 =	vor.u32 $0x6, v6;
	v27 =	vmul.f32 v38, v9  }
0x1da: {  	v17 =	vmul.f32 v24, v17;
	v9 =	vor.u32 $0x4, v6;
	v20 =	vmul.f32 v8, v20  }
0x1db: {  	s20 =	sadd.s32 $0x10, s20;
	v8 =	vor.u32 $0x7, v6;
	v24 =	vsub.f32 $1.500000000e+00, v27  }
0x1dc: {  	s7 =	sand.u32 $0x10, s20;
	v29 =	vadd.f32 $9.999999970e-07, v17;
	v27 =	vshll.u32 v37, $0x5;
	v20 =	vmax.f32 v20, $-9.999989860e-01  }
0x1dd: {  	v30 =	vor.u32 s7, v27;
	v24 =	vmul.f32 v38, v24;
	v17 =	vmin.f32 v20, $9.999989860e-01  }
0x1de: {  	v20 =	vor.u32 v0, v30;
	v37 =	vadd.s32 v2, v30;
	(erf) = vrcp.f32 v29  }
0x1df: {  	v27 =	vand.u32 $0xFFFFFF80, v27;
	v38 =	vadd.s32 v3, v30;
	v29 =	vand.u32 $0x7F, v20  }
0x1e0: {  	v27 =	vor.u32 v27, v29;
	v29 =	vmul.f32 v24, v36;
	v36 =	vand.u32 $0x7FFFFFFF, v17  }
0x1e1: {  	v30 =	vadd.s32 v4, v30;
	v40 =	vmul.f32 $-1.262491100e-03, v36;
	v41 =	vsub.f32 $1.000000000e+00, v36  }
0x1e2: {  	v22 =	vsub.f32 v22, v35;
	v15 =	vsub.f32 v31, v15;
	v29 =	vmul.f32 v29, v24  }
0x1e3: {  	v35 =	vadd.f32 $6.670089900e-03, v40;
	v40 =	vmul.f32 $5.000000000e-01, v41;
	v31 =	vld.idx.msk [tilespmem:v37+s28+$0x0], $0xffff;
	v37 =	vshra.s32 v41, $0x1  }
0x1e4: {  	v42 =	vmul.f32 v22, v15;
	v29 =	vsub.f32 $1.500000000e+00, v29;
	v38 =	vld.idx.msk [tilespmem:v38+s28+$0x0], $0xffff;
	v37 =	vsub.s32 $0x5F3759DF, v37  }
0x1e5: {  	v25 =	vsub.f32 v39, v25;
	v35 =	vmul.f32 v35, v36;
	v27 =	vld.idx.msk [tilespmem:v27+s28+$0x0], $0xffff;
	v43 =	vmul.f32 v37, v40  }
0x1e6: {  	v14 =	vsub.f32 v21, v14;
	v23 =	vsub.f32 v23, v33;
	v24 =	vmul.f32 v29, v24  }
0x1e7: {  	v16 =	vsub.f32 v16, v28;
	v21 =	vadd.f32 $-1.708812640e-02, v35;
	v29 =	vmul.f32 v37, v43;
	v28 =	vpop (erf)  }
0x1e8: {  	v33 =	vshll.u32 v34, $0x5;
	v34 =	vmul.f32 v23, v14;
	v11 =	vmul.f32 v28, v11  }
0x1e9: {  	v31 =	vadd.s32 v33, v31;
	v10 =	vmul.f32 v28, v10;
	v7 =	vmul.f32 v28, v7  }
0x1ea: {  	v21 =	vmul.f32 v21, v36;
	v28 =	vadd.s32 v33, v38;
	v35 =	vmul.f32 v11, v14  }
0x1eb: {  	v27 =	vadd.s32 v33, v27;
	v38 =	vld.idx.msk [tilespmem:v6+s17+$0x0], $0xffff;
	v6 =	vmul.f32 v7, v15;
	v7 =	vmul.f32 v7, v16  }
0x1ec: {  	v39 =	vadd.f32 $3.089188040e-02, v21;
	v14 =	vmul.f32 v10, v14;
	v11 =	vmul.f32 v11, v15;
	v32 =	vld.idx.msk [tilespmem:v32+s17+$0x0], $0xffff  }
0x1ed: {  	v10 =	vmul.f32 v10, v16;
	v16 =	vmul.f32 v25, v16;
	v15 =	vld.idx.msk [tilespmem:v30+s28+$0x0], $0xffff;
	v7 =	vsub.f32 v35, v7  }
0x1ee: {  	v29 =	vsub.f32 $1.500000000e+00, v29;
	v30 =	vmul.f32 v39, v36;
	v6 =	vsub.f32 v6, v14;
	v21 =	vld.idx.msk [tilespmem:v31+s24+$0x0], $0xffff  }
0x1ef: {  	v10 =	vsub.f32 v10, v11;
	v11 =	vadd.f32 v42, v16;
	v14 =	vld.idx.msk [tilespmem:v31+s23+$0x0], $0xffff;
	v7 =	vmul.f32 v7, v22  }
0x1f0: {  	v16 =	vadd.f32 $-5.017430340e-02, v30;
	v22 =	vmul.f32 v37, v29;
	v6 =	vmul.f32 v6, v25;
	v35 =	vld.idx.msk [tilespmem:v27+s24+$0x0], $0xffff  }
0x1f1: {  	v24 =	vmul.f32 v24, v26;
	v10 =	vmul.f32 v10, v23;
	v11 =	vadd.f32 v11, v34;
	v25 =	vld.idx.msk [tilespmem:v31+s19+$0x0], $0xffff  }
0x1f2: {  	v16 =	vmul.f32 v16, v36;
	v26 =	vmul.f32 v22, v40;
	v6 =	vadd.f32 v7, v6;
	v23 =	vld.idx.msk [tilespmem:v28+s24+$0x0], $0xffff  }
0x1f3: {  	v7 =	vadd.f32 $9.999999970e-07, v11;
	v11 =	vsub.f32 v24, v32;
	v30 =	vadd.s32 v33, v15;
	v29 =	vld.idx.msk [tilespmem:v28+s23+$0x0], $0xffff  }
0x1f4: {  	v16 =	vadd.f32 $8.897899090e-02, v16;
	v24 =	vmul.f32 v26, v22;
	v26 =	vadd.f32 v6, v10;
	v15 =	vld.idx.msk [tilespmem:v28+s19+$0x0], $0xffff  }
0x1f5: {  	v6 =	vshll.u32 v20, $0x3;
	v31 =	vmul.f32 v7, v7;
	v10 =	vmul.f32 v11, v38;
	v28 =	vld.idx.msk [tilespmem:v27+s19+$0x0], $0xffff  }
0x1f6: {  	v20 =	vsub.f32 v35, v21;
	v16 =	vmul.f32 v16, v36;
	v24 =	vsub.f32 $1.500000000e+00, v24;
	v27 =	vld.idx.msk [tilespmem:v27+s23+$0x0], $0xffff  }
0x1f7: {  	v33 =	vadd.f32 v7, v7;
	v32 =	vmul.f32 v26, v26;
	v34 =	vmul.f32 v10, v11  }
0x1f8: {  	v7 =	vsub.f32 v23, v21;
	v16 =	vadd.f32 $-2.145988050e-01, v16;
	v22 =	vmul.f32 v24, v22  }
0x1f9: {  	v33 =	vmul.f32 v26, v33;
	v24 =	vadd.f32 v32, v31;
	v10 =	vsub.f32 v29, v14  }
0x1fa: {  	v11 =	vsub.f32 v15, v25;
	v16 =	vmul.f32 v16, v36;
	v22 =	vmul.f32 v22, v41  }
0x1fb: {  	v24 =	vadd.f32 $1.000000000e-30, v24;
	v26 =	vsub.f32 v28, v25;
	v36 =	vmul.f32 v10, v10  }
0x1fc: {  	v37 =	vsub.f32 v27, v14;
	v38 =	vmul.f32 v11, v11;
	v16 =	vadd.f32 $1.570796250e+00, v16  }
0x1fd: {  	v39 =	vsub.f32 v25, v28;
	v25 =	vmul.f32 v26, v26;
	(erf) = vrcp.f32 v24  }
0x1fe: {  	v24 =	vmul.f32 v20, v20;
	v28 =	vadd.f32 v36, v38;
	v36 =	vmul.f32 v7, v7  }
0x1ff: {  	vm0 =	vge.f32 v17, $0.0e+00;
	v40 =	vmul.f32 v37, v37;
	v16 =	vmul.f32 v16, v22;
	v38 =	vld.idx.msk [tilespmem:v30+s19+$0x0], $0xffff  }
0x200: {  	v22 =	vmul.f32 v10, v37;
	v20 =	vmul.f32 v7, v20;
	v17 =	vadd.f32 v36, v28;
	v13 =	vld.idx.msk [tilespmem:v13+s17+$0x0], $0xffff  }
0x201: {  	v26 =	vmul.f32 v11, v26;
	v25 =	vadd.f32 v40, v25;
	v36 =	vsub.f32 $3.141592740e+00, v16;
	v28 =	vld.idx.msk [tilespmem:v30+s23+$0x0], $0xffff  }
0x202: {  	v31 =	vsub.f32 v31, v32;
	v37 =	vshra.s32 v17, $0x1;
	v40 =	vmul.f32 $5.000000000e-01, v17;
	v12 =	vld.idx.msk [tilespmem:v12+s17+$0x0], $0xffff  }
0x203: {  	v25 =	vadd.f32 v24, v25;
	v32 =	vadd.f32 $9.999999970e-07, v17;
	v37 =	vsub.s32 $0x5F3759DF, v37;
	v41 =	vld.idx.msk [tilespmem:v19+s17+$0x0], $0xffff  }
0x204: {  	v24 =	vadd.f32 v22, v26;
	v26 =	vsel vm0, v16, v36;
	v19 =	vmul.f32 v37, v40  }
0x205: {  	v25 =	vadd.f32 $9.999999970e-07, v25;
	v22 =	vsub.f32 v38, v15;
	v15 =	vmul.f32 v7, v39  }
0x206: {  	v36 =	vsub.f32 v14, v27;
	v19 =	vmul.f32 v37, v19;
	v13 =	vsub.f32 v26, v13;
	v18 =	vld.idx.msk [tilespmem:v18+s17+$0x0], $0xffff;
	v16 =	vpop (erf)  }
0x207: {  	v26 =	vmul.f32 v32, v25;
	v25 =	vsub.f32 v28, v29;
	v27 =	vmul.f32 v16, v31  }
0x208: {  	v14 =	vmul.f32 v11, v36;
	v28 =	vsub.f32 $1.500000000e+00, v19;
	v12 =	vmul.f32 v13, v12;
	v29 =	vld.idx.msk [tilespmem:v30+s24+$0x0], $0xffff  }
0x209: {  	v19 =	vmul.f32 $5.000000000e-01, v26;
	v30 =	vshra.s32 v26, $0x1;
	v32 =	vld.idx.msk [tilespmem:v9+s17+$0x0], $0xffff;
	v9 =	vmul.f32 v27, v41  }
0x20a: {  	v26 =	vsub.s32 $0x5F3759DF, v30;
	v27 =	vmul.f32 v37, v28;
	v30 =	vmul.f32 v16, v33  }
0x20b: {  	v16 =	vmul.f32 v7, v36;
	v13 =	vmul.f32 v12, v13;
	v31 =	vadd.f32 $1.000000000e+00, v9  }
0x20c: {  	v28 =	vsub.f32 v21, v35;
	v9 =	vmul.f32 v26, v19;
	v33 =	vmul.f32 v27, v40  }
.Ltmp2:
0x20d: {  	v21 =	vmul.f32 v10, v39;
	v13 =	vadd.f32 v13, v34;
	v12 =	vld.idx.msk [tilespmem:v8+s17+$0x0], $0xffff;
	v8 =	vmul.f32 v30, v18;
	(pc) =	sbr.rel @p0 .LBB3_6-.Ltmp2, $4  }
0x20e: {  	v18 =	vmul.f32 v26, v9;
	v9 =	vsub.f32 v29, v23;
	v29 =	vmul.f32 v33, v27  }
0x20f: {  	v34 =	vmul.f32 v36, v36;
	v33 =	vmul.f32 v39, v39;
	v35 =	vadd.f32 v31, v8  }
0x210: {  	v23 =	vmul.f32 v25, v11;
	v30 =	vsub.f32 $1.500000000e+00, v18;
	v29 =	vsub.f32 $1.500000000e+00, v29  }
0x211: {  	v8 =	vadd.f32 v34, v33;
	v31 =	vmul.f32 v28, v28;
	v18 =	vmul.f32 v35, v32  }
0x212: {  	_ = 	snop  }
0x213: {  	v26 =	vmul.f32 v26, v30;
	v8 =	vadd.f32 v31, v8;
	_ =	sdelay $0x1  }
0x214: {  	v30 =	vmul.f32 v26, v19;
	v19 =	vadd.f32 $9.999999970e-07, v8;
	_ =	sdelay $0x1  }
0x215: {  	v8 =	vmul.f32 v30, v26;
	v30 =	vshra.s32 v19, $0x1;
	v31 =	vmul.f32 $5.000000000e-01, v19  }
0x216: {  	v30 =	vsub.s32 $0x5F3759DF, v30  }
0x217: {  	v8 =	vsub.f32 $1.500000000e+00, v8;
	v32 =	vmul.f32 v30, v31  }
0x218: {  	v27 =	vmul.f32 v29, v27;
	v29 =	vmul.f32 v9, v10  }
0x219: {  	v20 =	vadd.f32 v20, v24;
	v8 =	vmul.f32 v8, v26;
	v24 =	vmul.f32 v30, v32  }
0x21a: {  	v25 =	vmul.f32 v25, v7;
	v17 =	vmul.f32 v27, v17  }
0x21b: {  	v27 =	vmul.f32 v11, v28;
	v8 =	vmul.f32 v8, v20;
	v20 =	vsub.f32 $1.500000000e+00, v24  }
0x21c: {  	v25 =	vsub.f32 v29, v25;
	v17 =	vadd.f32 $9.999999970e-07, v17  }
0x21d: {  	v15 =	vsub.f32 v27, v15;
	v8 =	vmax.f32 v8, $-9.999989860e-01;
	v20 =	vmul.f32 v30, v20  }
0x21e: {  	(erf) = vrcp.f32 v17;
	v24 =	vmul.f32 v10, v28;
	v17 =	vmin.f32 v8, $9.999989860e-01  }
0x21f: {  	v28 =	vmul.f32 v9, v11;
	v30 =	vmul.f32 v20, v31;
	v31 =	vand.u32 $0x7FFFFFFF, v17  }
0x220: {  	v9 =	vor.u32 s19, v0;
	v8 =	vand.u32 $0x1, v0;
	v53 =	vsub.f32 $1.000000000e+00, v31  }
0x221: {  	v26 =	vmul.f32 v22, v10;
	v34 =	vshrl.u32 v9, $0x1;
	v9 =	vmul.u32 $0x2, v8  }
0x222: {  	v33 =	vmul.f32 $-1.262491100e-03, v31;
	v35 =	vshra.s32 v53, $0x1;
	v36 =	vmul.f32 $5.000000000e-01, v53  }
0x223: {  	v22 =	vmul.f32 v22, v7;
	v37 =	vshll.u32 v34, $0x2;
	v35 =	vsub.s32 $0x5F3759DF, v35  }
0x224: {  	v38 =	vor.u32 v9, v37;
	v33 =	vadd.f32 $6.670089900e-03, v33;
	v27 =	vmul.f32 v35, v36  }
0x225: {  	v22 =	vsub.f32 v22, v28;
	v16 =	vsub.f32 v16, v24  }
0x226: {  	v14 =	vsub.f32 v21, v14;
	v21 =	vsub.f32 v23, v26;
	v28 =	vmul.f32 v33, v31  }
0x227: {  	v63 =	vor.u32 $0x3, v6;
	v23 =	vmul.f32 v22, v15;
	v57 =	vmul.f32 v25, v16  }
0x228: {  	v54 =	vmul.f32 v21, v14;
	v26 =	vmul.f32 v35, v27;
	v28 =	vadd.f32 $-1.708812640e-02, v28;
	v27 =	vpop (erf)  }
0x229: {  	s7 =	simm.s32 $0x10;
	v23 =	vadd.f32 v23, v57;
	v24 =	vld.idx.msk [tilespmem:v38+s26+$0x0], $0xffff;
	v11 =	vmul.f32 v27, v11;
	v7 =	vmul.f32 v27, v7  }
0x22a: {  	v56 =	vor.u32 s7, v0;
	v10 =	vmul.f32 v27, v10;
	v27 =	vmul.f32 v28, v31  }
0x22b: {  	v23 =	vadd.f32 v23, v54;
	v28 =	vmul.f32 v11, v14;
	v29 =	vmul.f32 v7, v15  }
0x22c: {  	v55 =	vmul.f32 v7, v16;
	v27 =	vadd.f32 $3.089188040e-02, v27;
	v7 =	vor.u32 $0x1, v9  }
0x22d: {  	v14 =	vmul.f32 v10, v14;
	v11 =	vmul.f32 v11, v15;
	v15 =	vor.u32 v7, v37  }
0x22e: {  	v10 =	vmul.f32 v10, v16;
	v37 =	vshrl.u32 v56, $0x1;
	v28 =	vsub.f32 v28, v55  }
0x22f: {  	v16 =	vmul.f32 v27, v31;
	v27 =	vshll.u32 v37, $0x2;
	v14 =	vsub.f32 v29, v14;
	v29 =	vld.idx.msk [tilespmem:v34+s25+$0x0], $0xffff  }
0x230: {  	v41 =	vor.u32 $0x2, v6;
	v26 =	vsub.f32 $1.500000000e+00, v26;
	v58 =	vor.u32 v9, v27  }
0x231: {  	v23 =	vadd.f32 $9.999999970e-07, v23;
	v10 =	vsub.f32 v10, v11;
	v11 =	vmul.f32 v28, v22;
	v22 =	vld.idx.msk [tilespmem:v24+s25+$0x0], $0xffff  }
0x232: {  	v26 =	vmul.f32 v35, v26;
	v16 =	vadd.f32 $-5.017430340e-02, v16;
	v14 =	vmul.f32 v14, v25;
	v15 =	vld.idx.msk [tilespmem:v15+s26+$0x0], $0xffff  }
0x233: {  	v27 =	vor.u32 v7, v27;
	v21 =	vmul.f32 v10, v21;
	v10 =	vor.u32 $0x1800, v8  }
0x234: {  	s21 =	simm.s32 $0x20;
	v16 =	vmul.f32 v16, v31;
	v11 =	vadd.f32 v11, v14;
	v14 =	vshll.u32 v29, $0x1  }
0x235: {  	v25 =	vor.u32 $0x1, v6;
	v28 =	vld.idx.msk [tilespmem:v58+s26+$0x0], $0xffff;
	v29 =	vadd.s32 v10, v14;
	v14 =	vor.u32 s21, v0  }
0x236: {  	v62 =	vld.idx.msk [tilespmem:v37+s25+$0x0], $0xffff;
	v16 =	vadd.f32 $8.897899090e-02, v16;
	v22 =	vshll.u32 v22, $0x1;
	v14 =	vshrl.u32 v14, $0x1  }
0x237: {  	v59 =	vand.u32 $0x7E, v22;
	v22 =	vand.u32 $0xFFFFFF80, v22;
	v15 =	vand.u32 $0x1, v15  }
0x238: {  	v60 =	vld.idx.msk [tilespmem:v6+s17+$0x0], $0xffff;
	v61 =	vshll.u32 v14, $0x2;
	v16 =	vmul.f32 v16, v31;
	v15 =	vor.u32 v59, v15  }
0x239: {  	v11 =	vadd.f32 v11, v21;
	v27 =	vld.idx.msk [tilespmem:v27+s26+$0x0], $0xffff;
	v21 =	vor.u32 v9, v61;
	v15 =	vor.u32 v15, v22  }
0x23a: {  	v16 =	vadd.f32 $-2.145988050e-01, v16;
	v22 =	vmul.f32 v26, v36;
	v29 =	vld.idx.msk [tilespmem:v29+s28+$0x0], $0xffff;
	v15 =	vadd.s32 $0x1800, v15  }
0x23b: {  	v39 =	vmul.f32 v23, v23;
	v25 =	vld.idx.msk [tilespmem:v25+s17+$0x0], $0xffff;
	v40 =	vmul.f32 v11, v11;
	v36 =	vshll.u32 v62, $0x1  }
0x23c: {  	v36 =	vadd.s32 v10, v36;
	v16 =	vmul.f32 v16, v31;
	v31 =	vld.idx.msk [tilespmem:v41+s17+$0x0], $0xffff;
	v22 =	vmul.f32 v22, v26  }
0x23d: {  	v42 =	vor.u32 $0x5, v6;
	v43 =	vadd.f32 v40, v39;
	v44 =	vld.idx.msk [tilespmem:v28+s25+$0x0], $0xffff  }
0x23e: {  	v30 =	vmul.f32 v30, v20;
	v34 =	vshll.u32 v34, $0x5;
	v21 =	vld.idx.msk [tilespmem:v21+s26+$0x0], $0xffff;
	v22 =	vsub.f32 $1.500000000e+00, v22  }
0x23f: {  	v43 =	vadd.f32 $1.000000000e-30, v43;
	v29 =	vadd.s32 v34, v29;
	v15 =	vld.idx.msk [tilespmem:v15+s28+$0x0], $0xffff  }
0x240: {  	v33 =	vor.u32 v7, v61;
	v22 =	vmul.f32 v22, v26;
	v26 =	vsub.f32 $1.500000000e+00, v30;
	v30 =	vld.idx.msk [tilespmem:v63+s17+$0x0], $0xffff  }
0x241: {  	vm0 =	vge.f32 v17, $0.0e+00;
	(erf) = vrcp.f32 v43;
	v16 =	vadd.f32 $1.570796250e+00, v16;
	v46 =	vld.idx.msk [tilespmem:v36+s28+$0x0], $0xffff  }
0x242: {  	v20 =	vmul.f32 v26, v20;
	v22 =	vmul.f32 v22, v53;
	v26 =	vld.idx.msk [tilespmem:v42+s17+$0x0], $0xffff;
	v43 =	vshll.u32 v44, $0x1  }
0x243: {  	v24 =	vshll.u32 v24, $0x5;
	v27 =	vand.u32 $0x1, v27;
	v44 =	vld.idx.msk [tilespmem:v14+s25+$0x0], $0xffff;
	v45 =	vand.u32 $0x7E, v43  }
0x244: {  	s19 =	simm.s32 $0x30;
	v16 =	vmul.f32 v16, v22;
	v22 =	vand.u32 $0xFFFFFF80, v43;
	v48 =	vld.idx.msk [tilespmem:v29+s24+$0x0], $0xffff;
	v15 =	vadd.s32 v24, v15  }
0x245: {  	v27 =	vor.u32 v45, v27;
	v20 =	vmul.f32 v20, v19;
	v19 =	vor.u32 s19, v0;
	v24 =	vld.idx.msk [tilespmem:v33+s26+$0x0], $0xffff  }
0x246: {  	v22 =	vor.u32 v27, v22;
	v27 =	vld.idx.msk [tilespmem:v21+s25+$0x0], $0xffff;
	v19 =	vshrl.u32 v19, $0x1;
	v47 =	vsub.f32 $3.141592740e+00, v16  }
0x247: {  	v22 =	vadd.s32 $0x1800, v22;
	v20 =	vsub.f32 v20, v25;
	v17 =	vshll.u32 v19, $0x2;
	v25 =	vld.idx.msk [tilespmem:v29+s10+$0x0], $0xffff  }
0x248: {  	v23 =	vadd.f32 v23, v23;
	v29 =	vld.idx.msk [tilespmem:v29+s23+$0x0], $0xffff;
	v50 =	vor.u32 v9, v17  }
0x249: {  	v49 =	vsub.f32 v39, v40;
	v16 =	vsel vm0, v16, v47;
	v51 =	vld.idx.msk [tilespmem:v15+s10+$0x0], $0xffff  }
0x24a: {  	v52 =	vor.u32 $0x6, v6;
	v11 =	vmul.f32 v11, v23;
	v16 =	vsub.f32 v16, v30;
	v30 =	vpop (erf);
	v53 =	vld.idx.msk [tilespmem:v15+s23+$0x0], $0xffff  }
0x24b: {  	v13 =	vadd.f32 v13, v18;
	v38 =	vmul.f32 v30, v49;
	v15 =	vld.idx.msk [tilespmem:v15+s24+$0x0], $0xffff  }
0x24c: {  	v17 =	vor.u32 v7, v17;
	v11 =	vmul.f32 v30, v11;
	v18 =	vmul.f32 v16, v31;
	v22 =	vld.idx.msk [tilespmem:v22+s28+$0x0], $0xffff  }
0x24d: {  	v31 =	vshll.u32 v44, $0x1;
	v23 =	vmul.f32 v38, v26;
	v26 =	vor.u32 $0x4, v6;
	v30 =	vld.idx.msk [tilespmem:v50+s26+$0x0], $0xffff  }
0x24e: {  	v28 =	vshll.u32 v28, $0x5;
	v35 =	vmul.f32 v20, v60;
	v31 =	vadd.s32 v10, v31  }
0x24f: {  	v54 =	vld.idx.msk [tilespmem:v52+s17+$0x0], $0xffff;
	v6 =	vor.u32 $0x7, v6;
	v16 =	vmul.f32 v18, v16;
	v18 =	vsub.f32 v51, v25  }
0x250: {  	v24 =	vand.u32 $0x1, v24;
	v27 =	vshll.u32 v27, $0x1;
	v55 =	vld.idx.msk [tilespmem:v19+s25+$0x0], $0xffff;
	v25 =	vshll.u32 v37, $0x5  }
0x251: {  	v17 =	vld.idx.msk [tilespmem:v17+s26+$0x0], $0xffff;
	v29 =	vsub.f32 v53, v29;
	v25 =	vadd.s32 v25, v46;
	v18 =	vmul.f32 v18, v18  }
0x252: {  	v15 =	vsub.f32 v15, v48;
	v22 =	vadd.s32 v28, v22;
	v28 =	vand.u32 $0x7E, v27;
	v26 =	vld.idx.msk [tilespmem:v26+s17+$0x0], $0xffff  }
0x253: {  	v29 =	vmul.f32 v29, v29;
	v24 =	vor.u32 v28, v24;
	v28 =	vld.idx.msk [tilespmem:v31+s28+$0x0], $0xffff;
	v18 =	vadd.f32 $9.999999970e-07, v18  }
0x254: {  	v20 =	vmul.f32 v35, v20;
	v27 =	vand.u32 $0xFFFFFF80, v27;
	v6 =	vld.idx.msk [tilespmem:v6+s17+$0x0], $0xffff  }
0x255: {  	v15 =	vmul.f32 v15, v15;
	v24 =	vor.u32 v24, v27;
	v27 =	vld.idx.msk [tilespmem:v30+s25+$0x0], $0xffff;
	v18 =	vadd.f32 v29, v18  }
0x256: {  	s20 =	simm.s32 $0x40;
	v12 =	vmul.f32 v13, v12;
	v11 =	vmul.f32 v11, v54;
	v23 =	vadd.f32 $1.000000000e+00, v23;
	v58 =	vld.idx.msk [tilespmem:v25+s23+$0x0], $0xffff  }
0x257: {  	v16 =	vadd.f32 v16, v20;
	v29 =	vor.u32 s20, v0;
	v20 =	vld.idx.msk [tilespmem:v22+s23+$0x0], $0xffff;
	v31 =	vadd.f32 v15, v18  }
0x258: {  	v15 =	vadd.f32 v23, v11;
	v11 =	vshrl.u32 v29, $0x1;
	v18 =	vadd.s32 $0x1800, v24;
	v23 =	vld.idx.msk [tilespmem:v25+s10+$0x0], $0xffff  }
0x259: {  	v29 =	vld.idx.msk [tilespmem:v22+s10+$0x0], $0xffff;
	v24 =	vshll.u32 v11, $0x2;
	v56 =	vshra.s32 v31, $0x1;
	v57 =	vmul.f32 $5.000000000e-01, v31  }
0x25a: {  	v5 =	vadd.f32 v12, v5;
	v25 =	vld.idx.msk [tilespmem:v25+s24+$0x0], $0xffff;
	v13 =	vor.u32 v9, v24;
	v33 =	vsub.s32 $0x5F3759DF, v56  }
0x25b: {  	v14 =	vshll.u32 v14, $0x5;
	v22 =	vld.idx.msk [tilespmem:v22+s24+$0x0], $0xffff;
	v15 =	vmul.f32 v15, v26;
	v26 =	vmul.f32 v33, v57  }
0x25c: {  	v21 =	vshll.u32 v21, $0x5;
	v12 =	vshll.u32 v55, $0x1;
	v20 =	vsub.f32 v20, v58  }
0x25d: {  	v14 =	vadd.s32 v14, v28;
	v15 =	vadd.f32 v16, v15;
	v16 =	vld.idx.msk [tilespmem:v18+s28+$0x0], $0xffff;
	v18 =	vmul.f32 v33, v26  }
0x25e: {  	v17 =	vand.u32 $0x1, v17;
	v24 =	vor.u32 v7, v24;
	v20 =	vmul.f32 v20, v20  }
0x25f: {  	v26 =	vadd.s32 v10, v12;
	v12 =	vld.idx.msk [tilespmem:v13+s26+$0x0], $0xffff;
	v13 =	vsub.f32 v29, v23;
	v18 =	vsub.f32 $1.500000000e+00, v18  }
0x260: {  	v22 =	vsub.f32 v22, v25;
	v15 =	vmul.f32 v15, v6;
	v23 =	vshll.u32 v27, $0x1  }
0x261: {  	v27 =	vand.u32 $0x7E, v23;
	v13 =	vmul.f32 v13, v13;
	v18 =	vmul.f32 v33, v18  }
0x262: {  	v60 =	vld.idx.msk [tilespmem:v14+s10+$0x0], $0xffff;
	v23 =	vand.u32 $0xFFFFFF80, v23;
	v17 =	vor.u32 v27, v17;
	v21 =	vadd.s32 v21, v16  }
0x263: {  	s21 =	simm.s32 $0x50;
	v59 =	vld.idx.msk [tilespmem:v24+s26+$0x0], $0xffff;
	v17 =	vor.u32 v17, v23;
	v13 =	vadd.f32 $9.999999970e-07, v13;
	v25 =	vmul.f32 v18, v57  }
0x264: {  	v6 =	vor.u32 s21, v0;
	v5 =	vadd.f32 v15, v5;
	v15 =	vld.idx.msk [tilespmem:v14+s24+$0x0], $0xffff;
	v17 =	vadd.s32 $0x1800, v17  }
0x265: {  	v27 =	vld.idx.msk [tilespmem:v11+s25+$0x0], $0xffff;
	v16 =	vadd.f32 v20, v13;
	v20 =	vmul.f32 v22, v22;
	v22 =	vmul.f32 v25, v18  }
0x266: {  	v26 =	vld.idx.msk [tilespmem:v26+s28+$0x0], $0xffff;
	v13 =	vshrl.u32 v6, $0x1  }
0x267: {  	v23 =	vld.idx.msk [tilespmem:v12+s25+$0x0], $0xffff;
	v6 =	vadd.f32 v20, v16;
	v20 =	vsub.f32 $1.500000000e+00, v22;
	v22 =	vshll.u32 v13, $0x2  }
0x268: {  	v61 =	vld.idx.msk [tilespmem:v21+s10+$0x0], $0xffff;
	v62 =	vor.u32 v9, v22  }
0x269: {  	v25 =	vld.idx.msk [tilespmem:v17+s28+$0x0], $0xffff;
	v24 =	vshra.s32 v6, $0x1;
	v16 =	vmul.f32 $5.000000000e-01, v6;
	v20 =	vmul.f32 v20, v18  }
0x26a: {  	v63 =	vshll.u32 v19, $0x5;
	v19 =	vsub.s32 $0x5F3759DF, v24;
	v18 =	vld.idx.msk [tilespmem:v14+s23+$0x0], $0xffff  }
0x26b: {  	v14 =	vshll.u32 v27, $0x1;
	v27 =	vmul.f32 v19, v16;
	v31 =	vmul.f32 v20, v31;
	v20 =	vld.idx.msk [tilespmem:v21+s23+$0x0], $0xffff  }
0x26c: {  	v29 =	vshll.u32 v30, $0x5;
	v30 =	vand.u32 $0x1, v59;
	v28 =	vor.u32 v7, v22;
	v22 =	vld.idx.msk [tilespmem:v21+s24+$0x0], $0xffff  }
0x26d: {  	v24 =	vadd.s32 v10, v14;
	v14 =	vmul.f32 v19, v27;
	v10 =	vadd.f32 $-1.500000000e+00, v31;
	v17 =	vld.idx.msk [tilespmem:v62+s26+$0x0], $0xffff  }
0x26e: {  	v32 =	vshll.u32 v23, $0x1;
	v23 =	vadd.s32 v63, v26;
	v26 =	vsub.f32 v61, v60  }
0x26f: {  	s19 =	simm.s32 $0x60;
	v21 =	vmovc v8;
	v31 =	vand.u32 $0xFFFFFF80, v32;
	v27 =	vsub.f32 $1.500000000e+00, v14;
	v14 =	vmul.f32 $5.000000000e-01, v10  }
.LBB3_8:
0x270: {  	p0 =	sne.s32 s19, $0x1F0;
	v32 =	vand.u32 $0x7E, v32;
	v26 =	vmul.f32 v26, v26;
	v18 =	vsub.f32 v20, v18  }
0x271: {  	v20 =	vor.u32 v32, v30;
	v19 =	vmul.f32 v19, v27;
	v10 =	vmul.f32 v14, v10  }
0x272: {  	v27 =	vadd.s32 v29, v25;
	v15 =	vsub.f32 v22, v15;
	v14 =	vld.idx.msk [tilespmem:v13+s25+$0x0], $0xffff;
	v18 =	vmul.f32 v18, v18  }
0x273: {  	v22 =	vadd.f32 $9.999999970e-07, v26;
	v30 =	vld.idx.msk [tilespmem:v28+s26+$0x0], $0xffff;
	v16 =	vmul.f32 v19, v16;
	v5 =	vadd.f32 v10, v5  }
0x274: {  	v20 =	vor.u32 v20, v31;
	v10 =	vor.u32 s19, v0;
	v26 =	vld.idx.msk [tilespmem:v24+s28+$0x0], $0xffff  }
0x275: {  	v18 =	vadd.f32 v18, v22;
	v22 =	vmul.f32 v15, v15;
	v31 =	vld.idx.msk [tilespmem:v17+s25+$0x0], $0xffff;
	v16 =	vmul.f32 v16, v19  }
0x276: {  	v10 =	vshrl.u32 v10, $0x1;
	v24 =	vadd.s32 $0x1800, v20;
	v15 =	vld.idx.msk [tilespmem:v23+s24+$0x0], $0xffff  }
0x277: {  	v28 =	vshll.u32 v10, $0x2;
	v22 =	vadd.f32 v22, v18;
	v33 =	vld.idx.msk [tilespmem:v23+s10+$0x0], $0xffff;
	v20 =	vsub.f32 $1.500000000e+00, v16  }
0x278: {  	v29 =	vor.u32 $0x1800, v21;
	v21 =	vmov v8;
	v32 =	vor.u32 v9, v28;
	v34 =	vld.idx.msk [tilespmem:v27+s10+$0x0], $0xffff  }
0x279: {  	v16 =	vmul.f32 $5.000000000e-01, v22;
	v18 =	vld.idx.msk [tilespmem:v23+s23+$0x0], $0xffff;
	v23 =	vshra.s32 v22, $0x1;
	v35 =	vmul.f32 v20, v19  }
0x27a: {  	v36 =	vshll.u32 v11, $0x5;
	v11 =	vmovc v13;
	v13 =	vmov v10;
	v20 =	vld.idx.msk [tilespmem:v27+s23+$0x0], $0xffff;
	v19 =	vsub.s32 $0x5F3759DF, v23  }
.Ltmp3:
0x27b: {  	v10 =	vshll.u32 v14, $0x1;
	v25 =	vld.idx.msk [tilespmem:v24+s28+$0x0], $0xffff;
	v14 =	vmul.f32 v19, v16;
	v23 =	vmul.f32 v35, v6;
	v6 =	vmovc v22;
	(pc) =	sbr.rel @p0 .LBB3_8-.Ltmp3, $4  }
0x27c: {  	v28 =	vor.u32 v7, v28;
	v24 =	vadd.s32 v29, v10;
	v29 =	vshll.u32 v12, $0x5;
	v12 =	vmovc v17;
	v22 =	vld.idx.msk [tilespmem:v27+s24+$0x0], $0xffff  }
0x27d: {  	v30 =	vand.u32 $0x1, v30;
	v17 =	vld.idx.msk [tilespmem:v32+s26+$0x0], $0xffff;
	v14 =	vmul.f32 v19, v14;
	v10 =	vadd.f32 $-1.500000000e+00, v23  }
0x27e: {  	v32 =	vshll.u32 v31, $0x1;
	v23 =	vadd.s32 v36, v26;
	v26 =	vsub.f32 v34, v33  }
0x27f: {  	s19 =	sadd.s32 $0x10, s19;
	v31 =	vand.u32 $0xFFFFFF80, v32;
	v27 =	vsub.f32 $1.500000000e+00, v14;
	v14 =	vmul.f32 $5.000000000e-01, v10  }
0x280: {  	_ =	sdelay $0x5  }
0x281: {  	v7 =	vld.idx.msk [tilespmem:v17+s25+$0x0], $0xffff  }
0x282: {  	v9 =	vld.idx.msk [tilespmem:v28+s26+$0x0], $0xffff  }
0x283: {  	v8 =	vand.u32 $0x7E, v32;
	v46 =	vld.idx.msk [tilespmem:v13+s25+$0x0], $0xffff  }
0x284: {  	v8 =	vor.u32 v8, v30  }
0x285: {  	v8 =	vor.u32 v8, v31  }
0x286: {  	v25 =	vadd.s32 v29, v25;
	v8 =	vadd.s32 $0x1800, v8;
	v7 =	vshll.u32 v7, $0x1  }
0x287: {  	v21 =	vor.u32 $0x1800, v21;
	v9 =	vand.u32 $0x1, v9;
	v47 =	vand.u32 $0x7E, v7  }
0x288: {  	v24 =	vld.idx.msk [tilespmem:v24+s28+$0x0], $0xffff;
	v28 =	vshll.u32 v46, $0x1;
	v7 =	vand.u32 $0xFFFFFF80, v7;
	v9 =	vor.u32 v47, v9  }
0x289: {  	v48 =	vld.idx.msk [tilespmem:v23+s24+$0x0], $0xffff;
	v21 =	vadd.s32 v21, v28;
	v7 =	vor.u32 v9, v7  }
0x28a: {  	v49 =	vld.idx.msk [tilespmem:v23+s10+$0x0], $0xffff;
	v7 =	vadd.s32 $0x1800, v7  }
0x28b: {  	v8 =	vld.idx.msk [tilespmem:v8+s28+$0x0], $0xffff  }
0x28c: {  	v11 =	vshll.u32 v11, $0x5;
	v51 =	vld.idx.msk [tilespmem:v23+s23+$0x0], $0xffff  }
0x28d: {  	v50 =	vld.idx.msk [tilespmem:v25+s10+$0x0], $0xffff;
	v11 =	vadd.s32 v11, v24  }
0x28e: {  	v21 =	vld.idx.msk [tilespmem:v21+s28+$0x0], $0xffff  }
0x28f: {  	v12 =	vshll.u32 v12, $0x5;
	v7 =	vld.idx.msk [tilespmem:v7+s28+$0x0], $0xffff  }
0x290: {  	v52 =	vld.idx.msk [tilespmem:v25+s23+$0x0], $0xffff;
	v8 =	vadd.s32 v12, v8  }
0x291: {  	v53 =	vld.idx.msk [tilespmem:v25+s24+$0x0], $0xffff  }
0x292: {  	v55 =	vshll.u32 v13, $0x5;
	v54 =	vld.idx.msk [tilespmem:v11+s24+$0x0], $0xffff  }
0x293: {  	v57 =	vshll.u32 v17, $0x5;
	v56 =	vld.idx.msk [tilespmem:v11+s10+$0x0], $0xffff;
	v13 =	vadd.s32 v55, v21  }
0x294: {  	v11 =	vld.idx.msk [tilespmem:v11+s23+$0x0], $0xffff;
	v7 =	vadd.s32 v57, v7  }
0x295: {  	v26 =	vmul.f32 v26, v26;
	v18 =	vsub.f32 v20, v18;
	v58 =	vld.idx.msk [tilespmem:v8+s10+$0x0], $0xffff  }
0x296: {  	v19 =	vmul.f32 v19, v27;
	v9 =	vsub.f32 v50, v49;
	v59 =	vld.idx.msk [tilespmem:v8+s23+$0x0], $0xffff  }
0x297: {  	v15 =	vsub.f32 v22, v15;
	v18 =	vmul.f32 v18, v18;
	v60 =	vadd.f32 $9.999999970e-07, v26;
	v8 =	vld.idx.msk [tilespmem:v8+s24+$0x0], $0xffff  }
0x298: {  	v9 =	vmul.f32 v9, v9;
	v12 =	vsub.f32 v52, v51;
	v61 =	vld.idx.msk [tilespmem:v13+s10+$0x0], $0xffff  }
0x299: {  	v16 =	vmul.f32 v19, v16;
	v15 =	vmul.f32 v15, v15;
	v18 =	vadd.f32 v18, v60;
	v62 =	vld.idx.msk [tilespmem:v7+s10+$0x0], $0xffff  }
0x29a: {  	v24 =	vsub.f32 v53, v48;
	v9 =	vadd.f32 $9.999999970e-07, v9;
	v12 =	vmul.f32 v12, v12;
	v63 =	vld.idx.msk [tilespmem:v13+s23+$0x0], $0xffff  }
0x29b: {  	v15 =	vadd.f32 v15, v18;
	v17 =	vsub.f32 v58, v56;
	v27 =	vld.idx.msk [tilespmem:v7+s23+$0x0], $0xffff  }
0x29c: {  	v16 =	vmul.f32 v16, v19;
	v28 =	vmul.f32 v24, v24;
	v9 =	vadd.f32 v12, v9;
	v13 =	vld.idx.msk [tilespmem:v13+s24+$0x0], $0xffff  }
0x29d: {  	v29 =	vshra.s32 v15, $0x1;
	v11 =	vsub.f32 v59, v11;
	v17 =	vmul.f32 v17, v17;
	v7 =	vld.idx.msk [tilespmem:v7+s24+$0x0], $0xffff  }
0x29e: {  	v30 =	vmul.f32 $5.000000000e-01, v15;
	v9 =	vadd.f32 v28, v9;
	v31 =	vsub.f32 v62, v61  }
0x29f: {  	v8 =	vsub.f32 v8, v54;
	v11 =	vmul.f32 v11, v11;
	v17 =	vadd.f32 $9.999999970e-07, v17  }
0x2a0: {  	v21 =	vsub.s32 $0x5F3759DF, v29;
	v18 =	vsub.f32 v27, v63;
	v12 =	vmul.f32 v31, v31  }
0x2a1: {  	v32 =	vshra.s32 v9, $0x1;
	v8 =	vmul.f32 v8, v8;
	v11 =	vadd.f32 v11, v17  }
0x2a2: {  	v7 =	vsub.f32 v7, v13;
	v33 =	vmul.f32 v18, v18;
	v12 =	vadd.f32 $9.999999970e-07, v12  }
0x2a3: {  	v34 =	vmul.f32 v21, v30;
	v35 =	vmul.f32 $5.000000000e-01, v9;
	v22 =	vsub.s32 $0x5F3759DF, v32  }
0x2a4: {  	v8 =	vadd.f32 v8, v11;
	v7 =	vmul.f32 v7, v7;
	v36 =	vadd.f32 v33, v12  }
0x2a5: {  	v37 =	vmul.f32 v21, v34;
	v38 =	vmul.f32 v22, v35  }
0x2a6: {  	v39 =	vshra.s32 v8, $0x1;
	v40 =	vmul.f32 $5.000000000e-01, v8;
	v7 =	vadd.f32 v7, v36  }
0x2a7: {  	v41 =	vsub.f32 $1.500000000e+00, v37;
	v42 =	vmul.f32 v22, v38;
	v43 =	vsub.s32 $0x5F3759DF, v39  }
0x2a8: {  	v17 =	vmul.f32 v43, v40;
	v44 =	vshra.s32 v7, $0x1;
	v45 =	vmul.f32 $5.000000000e-01, v7  }
0x2a9: {  	v11 =	vmul.f32 v21, v41;
	v12 =	vsub.f32 $1.500000000e+00, v42;
	v46 =	vsub.s32 $0x5F3759DF, v44  }
0x2aa: {  	v17 =	vmul.f32 v43, v17;
	v24 =	vmul.f32 v46, v45  }
0x2ab: {  	v20 =	vmul.f32 v11, v30;
	v12 =	vmul.f32 v22, v12  }
0x2ac: {  	v17 =	vsub.f32 $1.500000000e+00, v17;
	v47 =	vmul.f32 v46, v24  }
0x2ad: {  	v16 =	vsub.f32 $1.500000000e+00, v16;
	v20 =	vmul.f32 v20, v11;
	v18 =	vmul.f32 v12, v35  }
0x2ae: {  	v13 =	vmul.f32 v43, v17;
	v48 =	vsub.f32 $1.500000000e+00, v47  }
0x2af: {  	v16 =	vmul.f32 v16, v19;
	v49 =	vsub.f32 $1.500000000e+00, v20;
	v18 =	vmul.f32 v18, v12  }
0x2b0: {  	v50 =	vmul.f32 v13, v40;
	v17 =	vmul.f32 v46, v48  }
0x2b1: {  	v6 =	vmul.f32 v16, v6;
	v11 =	vmul.f32 v49, v11  }
0x2b2: {  	v51 =	vsub.f32 $1.500000000e+00, v18;
	v52 =	vmul.f32 v50, v13;
	v53 =	vmul.f32 v17, v45  }
0x2b3: {  	v6 =	vadd.f32 $-1.500000000e+00, v6;
	v11 =	vmul.f32 v11, v15  }
0x2b4: {  	v12 =	vmul.f32 v51, v12;
	v54 =	vsub.f32 $1.500000000e+00, v52;
	v55 =	vmul.f32 v53, v17  }
0x2b5: {  	v10 =	vmul.f32 v14, v10;
	v56 =	vmul.f32 $5.000000000e-01, v6;
	v11 =	vadd.f32 $-1.500000000e+00, v11  }
0x2b6: {  	v9 =	vmul.f32 v12, v9;
	v57 =	vmul.f32 v54, v13;
	v58 =	vsub.f32 $1.500000000e+00, v55  }
0x2b7: {  	v5 =	vadd.f32 v10, v5;
	v6 =	vmul.f32 v56, v6;
	v59 =	vmul.f32 $5.000000000e-01, v11  }
0x2b8: {  	v9 =	vadd.f32 $-1.500000000e+00, v9;
	v8 =	vmul.f32 v57, v8;
	v60 =	vmul.f32 v58, v17  }
0x2b9: {  	v5 =	vadd.f32 v6, v5;
	v6 =	vmul.f32 v59, v11  }
0x2ba: {  	v61 =	vmul.f32 $5.000000000e-01, v9;
	v8 =	vadd.f32 $-1.500000000e+00, v8;
	v7 =	vmul.f32 v60, v7  }
0x2bb: {  	v5 =	vadd.f32 v6, v5  }
0x2bc: {  	v6 =	vmul.f32 v61, v9;
	v62 =	vmul.f32 $5.000000000e-01, v8;
	v7 =	vadd.f32 $-1.500000000e+00, v7;
	_ =	sdelay $0x1  }
0x2bd: {  	v5 =	vadd.f32 v6, v5;
	v6 =	vmul.f32 v62, v8;
	v63 =	vmul.f32 $5.000000000e-01, v7;
	_ =	sdelay $0x1  }
0x2be: {  	v5 =	vadd.f32 v6, v5;
	v6 =	vmul.f32 v63, v7;
	_ =	sdelay $0x1  }
0x2bf: {  	v5 =	vadd.f32 v6, v5;
	_ =	sdelay $0x1  }
0x2c0: {  	(xrf2) =	vadd.scan.msk.f32 $0xffff, v5;
	_ =	sdelay $0x9  }
0x2c1: {  	v5, _, _ =	vpop (xrf2)  }
0x2c2: {  	v5 =	vbroadcast v5, $0xF  }
0x2c3: {  	vm0 =	vmmov $0x1  }
0x2c4: {  	v5 =	vnsel vm0, $0x0, v5  }
0x2c5: {  	s7 =	rddreg [dreg:$0x15];
	s19 =	simm.s32 $0xE900;
	[tilespmem:$0xE900] =	vst v5  }
0x2c6: {  	[hbm4b:s7+s10] =	stream.linear.scatter [tilespmem:s19], [sflag:$0x2], $0x80, $0x38;
	[tilespmem:$0xE980] =	vst v63  }
0x2c7: {  	_ =	swait.ge [sflag:s22], $0x80  }
0x2c8: {  	s18 =	sadd.s32 $0x1, s18;
	s21 =	rddreg [dreg:$0x16]  }
0x2c9: {  	p0 =	sne.s32 s18, s21  }
.Ltmp4:
0x2ca: {  	_ = 	snop;
	(pc) =	sbr.rel @p0 .LBB3_1-.Ltmp4, $3  }
0x2cb: {  	_ =	sdelay $0x1  }
0x2cc: {  	[sflag:s22] =	ssyncset.done $0x0  }
0x2cd: {  	[sflag:s22] =	ssyncadd.s32 $0xFFFFFF80  }
0x2ce: {  	_ =	sfence.sel $0x180000  }
0x2cf: {  	[bflag:$0x0] =	sbarrier.arrive $0xFFFF  }
0x2d0: {  	_ =	strace $0x90000047  }
0x2d1: {  	s0 =	stileid.u32;
	[bflag:$0x2] =	sbarrier.arrive $0xFFFF  }
0x2d2: {  	p0 =	sne.s32 s0, $0x0;
	s0 =	rddreg [dreg:$0xe]  }
0x2d3: {  	s0 =	sadd.s32 @!p0 $0x100000, s0  }
0x2d4: {  	[sflag:s0] =	ssyncadd.tile.s32 @!p0 $0x1;
	_ =	shalt  }
.Lfunc_end3:
_tile_overlayer_lowered:
.L_overlay_start_3:
0x2d5: {  	(tag) =	ssettag $0x3  }
0x2d6: {  	s0 =	rddreg [dreg:$0x0];
	s2 =	stileid.u32  }
0x2d7: {  	s1 =	rddreg [dreg:$0x1];
	p0 =	sne.s32 s2, $0x0  }
0x2d8: {  	s3 =	rddreg [dreg:$0x2];
	[bflag:$0x3] =	sbarrier.arrive $0xFFFF;
	s2 =	simm.s32 @!p0 $0x1C02  }
0x2d9: {  	[timem:s3], [sflag:s2] =	dma.local @!p0 [hbm:s0], s1  }
0x2da: {  	s0 =	simm.s32 @!p0 $0x2  }
0x2db: {  	_ =	swait.ge @!p0 [sflag:s0], s1  }
0x2dc: {  	s1 =	ssub.s32 @!p0 $0x0, s1;
	[sflag:s0] =	ssyncset.done @!p0 $0x0  }
0x2dd: {  	[sflag:s0] =	ssyncadd.s32 @!p0 s1  }
0x2de: {  	[bflag:$0x3] =	sbarrier.arrive $0xFFFF  }
0x2df: {  	_ =	shalt  }

</sc_bundles>
